<compile_context>
chip_gen: v7x
topology: tpu7x:2x2x1
jax: 0.10.2.dev20260603
libtpu: 0.0.44.dev20260713+nightly
codegen_flags: <defaults>
</compile_context>

<pallas_src>
import functools
import math

import jax
import jax.numpy as jnp
from jax import lax
from jax.experimental import pallas as pl
from jax.experimental.pallas import tpu as pltpu
from jax.experimental.pallas import tpu_sc as plsc

_D = 64
_LANES = 16
_NC = 2
_NS = 16
_NW = _NC * _NS
_B = 8
_CHUNK = 128
_SCALE = math.sqrt(_D)


@functools.lru_cache(maxsize=None)
def _build(n_j: int, n_b: int):
    npt = _B * n_j
    n_tasks = n_b // _B
    assert n_tasks % _NW == 0
    tpw = n_tasks // _NW
    chunks = []
    off = 0
    while off < npt:
        c = min(_CHUNK, npt - off)
        chunks.append((off, c))
        off += c

    mesh = plsc.VectorSubcoreMesh(
        core_axis_name="c", subcore_axis_name="s",
        num_cores=_NC, num_subcores=_NS)

    @functools.partial(
        pl.kernel,
        out_type=jax.ShapeDtypeStruct((n_tasks, npt, _D), jnp.float32),
        mesh=mesh,
        compiler_params=pltpu.CompilerParams(
            use_tc_tiling_on_sc=False, needs_layout_passes=False),
        scratch_types=[
            pltpu.VMEM((2, npt), jnp.int32),
            pltpu.VMEM((2, npt, _D), jnp.float32),
            pltpu.SemaphoreType.DMA((2,)),
            pltpu.SemaphoreType.DMA((2,)),
            pltpu.SemaphoreType.DMA((2,)),
        ],
    )
    def sc_embed(idx_hbm, table_hbm, out_hbm, idx_v, rows_v,
                 isem, gsem, wsem):
        wid = lax.axis_index("s") * _NC + lax.axis_index("c")
        t0 = wid * tpw

        def fire_idx(t, p):
            pltpu.async_copy(idx_hbm.at[t0 + t], idx_v.at[p], isem.at[p])

        def wait_idx(t, p):
            pltpu.make_async_copy(idx_hbm.at[t0 + t], idx_v.at[p],
                                  isem.at[p]).wait()

        def fire_gather(t, p):
            for off, c in chunks:
                pltpu.async_copy(
                    table_hbm.at[idx_v.at[p, pl.ds(off, c)]],
                    rows_v.at[p, pl.ds(off, c)], gsem.at[p])

        def wait_gather(t, p):
            for off, c in chunks:
                pltpu.make_async_copy(
                    table_hbm.at[idx_v.at[p, pl.ds(off, c)]],
                    rows_v.at[p, pl.ds(off, c)], gsem.at[p]).wait()

        def fire_write(t, p):
            pltpu.async_copy(rows_v.at[p], out_hbm.at[t0 + t], wsem.at[p])

        def wait_write(t, p):
            pltpu.make_async_copy(rows_v.at[p], out_hbm.at[t0 + t],
                                  wsem.at[p]).wait()

        fire_idx(0, 0)
        fire_idx(1, 1)
        wait_idx(0, 0)
        fire_gather(0, 0)

        def pair_body(t2, carry):
            for p in range(2):
                t = t2 * 2 + p
                q = 1 - p
                @pl.when(t + 1 < tpw)
                def _():
                    wait_idx(t + 1, q)

                    @pl.when(t >= 1)
                    def _():
                        wait_write(t - 1, q)

                    fire_gather(t + 1, q)

                wait_gather(t, p)

                @pl.when(t + 2 < tpw)
                def _():
                    fire_idx(t + 2, p)

                def sc_body(m, carry2):
                    r = m // (_D // _LANES)
                    cc = (m % (_D // _LANES)) * _LANES
                    rows_v[p, r, pl.ds(cc, _LANES)] = (
                        rows_v[p, r, pl.ds(cc, _LANES)] * _SCALE)
                    return carry2

                lax.fori_loop(0, (npt * _D) // _LANES, sc_body, 0,
                              unroll=8)
                fire_write(t, p)
            return carry

        lax.fori_loop(0, tpw // 2, pair_body, 0)
        wait_write(tpw - 2, 0)
        wait_write(tpw - 1, 1)

    return sc_embed


def kernel(x, table):
    n_b, n_j = x.shape
    idx2 = x.reshape(n_b // _B, _B * n_j)
    out = _build(n_j, n_b)(idx2, table)
    return out.reshape(n_b, n_j, _D)

# --- scband reference (transcript-rebuilt; emitter-appended) ---
"""Pipeline reference for scband-class-embedding-32203664785772 (READ-ONLY COPY).

The authoritative reference and input builder live on the scoring server;
editing this copy changes nothing except your own understanding.
"""

import jax, jax.numpy as jnp
import numpy as np
import math

D_MODEL = 64
N_CLASS = 1000000

def setup_inputs(seed: int = 0) -> dict:
    key = jax.random.key(seed)
    k1, k2 = jax.random.split(key)
    x = jax.random.randint(k1, (16384, 50), 0, N_CLASS, dtype=jnp.int64 if jax.config.jax_enable_x64 else jnp.int32).astype(jnp.int32)
    table = jax.random.normal(k2, (N_CLASS, D_MODEL), dtype=jnp.float32)
    return {"x": x, "table": table}

def reference(x, table):
    # Faithful translation of Class_Embedding.forward:
    #   self.embedding(x) * math.sqrt(self.d_model)
    emb = jnp.take(table, x, axis=0)
    return emb * math.sqrt(D_MODEL)

if __name__ == "__main__":
    import jax
    _d = setup_inputs()
    print(jax.jit(kernel)(*tuple(_d.values())))

</pallas_src>

<mosaic_0001>
#map = affine_map<(d0, d1) -> (0, 0)>
#map1 = affine_map<(d0, d1) -> (0, 0, 0)>
module attributes {stable_mosaic.version = 14 : i64} {
  func.func @sc_embed(%arg0: i32, %arg1: i32, %arg2: memref<2048x400xi32, #tpu.memory_space<hbm>>, %arg3: memref<1000000x64xf32, #tpu.memory_space<hbm>>, %arg4: memref<2048x400x64xf32, #tpu.memory_space<hbm>>, %arg5: memref<2x400xi32, #tpu.memory_space<vmem>>, %arg6: memref<2x400x64xf32, #tpu.memory_space<vmem>>, %arg7: memref<2x!tpu.dma_semaphore, #tpu.memory_space<semaphore_mem>>, %arg8: memref<2x!tpu.dma_semaphore, #tpu.memory_space<semaphore_mem>>, %arg9: memref<2x!tpu.dma_semaphore, #tpu.memory_space<semaphore_mem>>) attributes {dimension_semantics = [#tpu.dimension_semantics<core_parallel>, #tpu.dimension_semantics<subcore_parallel>], iteration_bounds = array<i64: 2, 16>, scalar_prefetch = 0 : i64, scratch_operands = 5 : i64, tpu.core_type = #tpu.core_type<sc_vector_subcore>, window_params = [{transform_indices = #map}, {transform_indices = #map}, {transform_indices = #map1}]} {
    %mul3A = arith.constant 2 : i32
    %mul3A_0 = arith.muli %arg1, %mul3A : i32
    %add3A = arith.addi %mul3A_0, %arg0 : i32
    %mul3A_1 = arith.constant 64 : i32
    %mul3A_2 = arith.muli %add3A, %mul3A_1 : i32
    %add3A_3 = arith.constant 0 : i32
    %add3A_4 = arith.addi %mul3A_2, %add3A_3 : i32
    %dma_start3A = arith.constant 0 : i32
    %dma_start3A_5 = arith.constant 0 : i32
    %dma_start3A_6 = arith.constant 0 : i32
    %dma_start3A_7 = tpu.memref_slice %arg5[%dma_start3A, %dma_start3A_6] : memref<2x400xi32, #tpu.memory_space<vmem>> -> memref<1x400xi32, #tpu.memory_space<vmem>>
    %dma_start3A_8 = tpu.memref_squeeze %dma_start3A_7 : memref<1x400xi32, #tpu.memory_space<vmem>> -> memref<400xi32, #tpu.memory_space<vmem>>
    %dma_start3A_9 = arith.constant 0 : i32
    %dma_start3A_10 = tpu.memref_slice %arg2[%add3A_4, %dma_start3A_9] : memref<2048x400xi32, #tpu.memory_space<hbm>> -> memref<1x400xi32, #tpu.memory_space<hbm>>
    %dma_start3A_11 = tpu.memref_squeeze %dma_start3A_10 : memref<1x400xi32, #tpu.memory_space<hbm>> -> memref<400xi32, #tpu.memory_space<hbm>>
    %dma_start3A_12 = tpu.memref_slice %arg7[%dma_start3A_5] : memref<2x!tpu.dma_semaphore, #tpu.memory_space<semaphore_mem>> -> memref<1x!tpu.dma_semaphore, #tpu.memory_space<semaphore_mem>>
    %dma_start3A_13 = tpu.memref_squeeze %dma_start3A_12 : memref<1x!tpu.dma_semaphore, #tpu.memory_space<semaphore_mem>> -> memref<!tpu.dma_semaphore, #tpu.memory_space<semaphore_mem>>
    %dma_start3A_14 = arith.constant 0 : i32
    %dma_start3A_15 = tpu.memref_slice %arg5[%dma_start3A, %dma_start3A_14] : memref<2x400xi32, #tpu.memory_space<vmem>> -> memref<1x400xi32, #tpu.memory_space<vmem>>
    %dma_start3A_16 = tpu.memref_squeeze %dma_start3A_15 : memref<1x400xi32, #tpu.memory_space<vmem>> -> memref<400xi32, #tpu.memory_space<vmem>>
    %dma_start3A_17 = arith.constant 0 : i32
    %dma_start3A_18 = tpu.memref_slice %arg2[%add3A_4, %dma_start3A_17] : memref<2048x400xi32, #tpu.memory_space<hbm>> -> memref<1x400xi32, #tpu.memory_space<hbm>>
    %dma_start3A_19 = tpu.memref_squeeze %dma_start3A_18 : memref<1x400xi32, #tpu.memory_space<hbm>> -> memref<400xi32, #tpu.memory_space<hbm>>
    tpu.enqueue_dma source(%dma_start3A_19 : memref<400xi32, #tpu.memory_space<hbm>>) target(%dma_start3A_16 : memref<400xi32, #tpu.memory_space<vmem>>) target_semaphore(%dma_start3A_13 : memref<!tpu.dma_semaphore, #tpu.memory_space<semaphore_mem>>)
    %add3A_20 = arith.constant 1 : i32
    %add3A_21 = arith.addi %mul3A_2, %add3A_20 : i32
    %dma_start3A_22 = arith.constant 1 : i32
    %dma_start3A_23 = arith.constant 1 : i32
    %dma_start3A_24 = arith.constant 0 : i32
    %dma_start3A_25 = tpu.memref_slice %arg5[%dma_start3A_22, %dma_start3A_24] : memref<2x400xi32, #tpu.memory_space<vmem>> -> memref<1x400xi32, #tpu.memory_space<vmem>>
    %dma_start3A_26 = tpu.memref_squeeze %dma_start3A_25 : memref<1x400xi32, #tpu.memory_space<vmem>> -> memref<400xi32, #tpu.memory_space<vmem>>
    %dma_start3A_27 = arith.constant 0 : i32
    %dma_start3A_28 = tpu.memref_slice %arg2[%add3A_21, %dma_start3A_27] : memref<2048x400xi32, #tpu.memory_space<hbm>> -> memref<1x400xi32, #tpu.memory_space<hbm>>
    %dma_start3A_29 = tpu.memref_squeeze %dma_start3A_28 : memref<1x400xi32, #tpu.memory_space<hbm>> -> memref<400xi32, #tpu.memory_space<hbm>>
    %dma_start3A_30 = tpu.memref_slice %arg7[%dma_start3A_23] : memref<2x!tpu.dma_semaphore, #tpu.memory_space<semaphore_mem>> -> memref<1x!tpu.dma_semaphore, #tpu.memory_space<semaphore_mem>>
    %dma_start3A_31 = tpu.memref_squeeze %dma_start3A_30 : memref<1x!tpu.dma_semaphore, #tpu.memory_space<semaphore_mem>> -> memref<!tpu.dma_semaphore, #tpu.memory_space<semaphore_mem>>
    %dma_start3A_32 = arith.constant 0 : i32
    %dma_start3A_33 = tpu.memref_slice %arg5[%dma_start3A_22, %dma_start3A_32] : memref<2x400xi32, #tpu.memory_space<vmem>> -> memref<1x400xi32, #tpu.memory_space<vmem>>
    %dma_start3A_34 = tpu.memref_squeeze %dma_start3A_33 : memref<1x400xi32, #tpu.memory_space<vmem>> -> memref<400xi32, #tpu.memory_space<vmem>>
    %dma_start3A_35 = arith.constant 0 : i32
    %dma_start3A_36 = tpu.memref_slice %arg2[%add3A_21, %dma_start3A_35] : memref<2048x400xi32, #tpu.memory_space<hbm>> -> memref<1x400xi32, #tpu.memory_space<hbm>>
    %dma_start3A_37 = tpu.memref_squeeze %dma_start3A_36 : memref<1x400xi32, #tpu.memory_space<hbm>> -> memref<400xi32, #tpu.memory_space<hbm>>
    tpu.enqueue_dma source(%dma_start3A_37 : memref<400xi32, #tpu.memory_space<hbm>>) target(%dma_start3A_34 : memref<400xi32, #tpu.memory_space<vmem>>) target_semaphore(%dma_start3A_31 : memref<!tpu.dma_semaphore, #tpu.memory_space<semaphore_mem>>)
    %add3A_38 = arith.constant 0 : i32
    %add3A_39 = arith.addi %mul3A_2, %add3A_38 : i32
    %dma_wait3A = arith.constant 0 : i32
    %dma_wait3A_40 = arith.constant 0 : i32
    %dma_wait3A_41 = arith.constant 0 : i32
    %dma_wait3A_42 = tpu.memref_slice %arg5[%dma_wait3A, %dma_wait3A_41] : memref<2x400xi32, #tpu.memory_space<vmem>> -> memref<1x400xi32, #tpu.memory_space<vmem>>
    %dma_wait3A_43 = tpu.memref_squeeze %dma_wait3A_42 : memref<1x400xi32, #tpu.memory_space<vmem>> -> memref<400xi32, #tpu.memory_space<vmem>>
    %dma_wait3A_44 = arith.constant 0 : i32
    %dma_wait3A_45 = tpu.memref_slice %arg2[%add3A_39, %dma_wait3A_44] : memref<2048x400xi32, #tpu.memory_space<hbm>> -> memref<1x400xi32, #tpu.memory_space<hbm>>
    %dma_wait3A_46 = tpu.memref_squeeze %dma_wait3A_45 : memref<1x400xi32, #tpu.memory_space<hbm>> -> memref<400xi32, #tpu.memory_space<hbm>>
    %dma_wait3A_47 = tpu.memref_slice %arg7[%dma_wait3A_40] : memref<2x!tpu.dma_semaphore, #tpu.memory_space<semaphore_mem>> -> memref<1x!tpu.dma_semaphore, #tpu.memory_space<semaphore_mem>>
    %dma_wait3A_48 = tpu.memref_squeeze %dma_wait3A_47 : memref<1x!tpu.dma_semaphore, #tpu.memory_space<semaphore_mem>> -> memref<!tpu.dma_semaphore, #tpu.memory_space<semaphore_mem>>
    %dma_wait3A_49 = arith.constant 0 : i32
    %dma_wait3A_50 = tpu.memref_slice %arg5[%dma_wait3A, %dma_wait3A_49] : memref<2x400xi32, #tpu.memory_space<vmem>> -> memref<1x400xi32, #tpu.memory_space<vmem>>
    %dma_wait3A_51 = tpu.memref_squeeze %dma_wait3A_50 : memref<1x400xi32, #tpu.memory_space<vmem>> -> memref<400xi32, #tpu.memory_space<vmem>>
    %dma_wait3A_52 = arith.constant 0 : i32
    %dma_wait3A_53 = tpu.memref_slice %arg2[%add3A_39, %dma_wait3A_52] : memref<2048x400xi32, #tpu.memory_space<hbm>> -> memref<1x400xi32, #tpu.memory_space<hbm>>
    %dma_wait3A_54 = tpu.memref_squeeze %dma_wait3A_53 : memref<1x400xi32, #tpu.memory_space<hbm>> -> memref<400xi32, #tpu.memory_space<hbm>>
    tpu.wait_dma2 semaphore(%dma_wait3A_48 : memref<!tpu.dma_semaphore, #tpu.memory_space<semaphore_mem>>) src(%dma_wait3A_54 : memref<400xi32, #tpu.memory_space<hbm>>) dst(%dma_wait3A_51 : memref<400xi32, #tpu.memory_space<vmem>>)
    %dma_start3A_55 = arith.constant 0 : i32
    %dma_start3A_56 = arith.constant 0 : i32
    %dma_start3A_57 = arith.constant 0 : i32
    %dma_start3A_58 = arith.constant 0 : i32
    %dma_start3A_59 = arith.constant 0 : i32
    %dma_start3A_60 = tpu.memref_slice %arg6[%dma_start3A_56, %dma_start3A_58, %dma_start3A_59] : memref<2x400x64xf32, #tpu.memory_space<vmem>> -> memref<1x128x64xf32, #tpu.memory_space<vmem>>
    %dma_start3A_61 = tpu.memref_squeeze %dma_start3A_60 : memref<1x128x64xf32, #tpu.memory_space<vmem>> -> memref<128x64xf32, #tpu.memory_space<vmem>>
    %dma_start3A_62 = arith.constant 0 : i32
    %dma_start3A_63 = tpu.memref_slice %arg5[%dma_start3A_55, %dma_start3A_62] : memref<2x400xi32, #tpu.memory_space<vmem>> -> memref<1x128xi32, #tpu.memory_space<vmem>>
    %dma_start3A_64 = tpu.memref_squeeze %dma_start3A_63 : memref<1x128xi32, #tpu.memory_space<vmem>> -> memref<128xi32, #tpu.memory_space<vmem>>
    %dma_start3A_65 = arith.constant 0 : i32
    %dma_start3A_66 = arith.constant 0 : i32
    %dma_start3A_67 = tpu.memref_slice %arg3[%dma_start3A_65, %dma_start3A_66] : memref<1000000x64xf32, #tpu.memory_space<hbm>> -> memref<1000000x64xf32, #tpu.memory_space<hbm>>
    %dma_start3A_68 = tpu.memref_slice %arg8[%dma_start3A_57] : memref<2x!tpu.dma_semaphore, #tpu.memory_space<semaphore_mem>> -> memref<1x!tpu.dma_semaphore, #tpu.memory_space<semaphore_mem>>
    %dma_start3A_69 = tpu.memref_squeeze %dma_start3A_68 : memref<1x!tpu.dma_semaphore, #tpu.memory_space<semaphore_mem>> -> memref<!tpu.dma_semaphore, #tpu.memory_space<semaphore_mem>>
    tpu.enqueue_indirect_dma source(%dma_start3A_67 : memref<1000000x64xf32, #tpu.memory_space<hbm>>) target(%dma_start3A_61 : memref<128x64xf32, #tpu.memory_space<vmem>>) offsets(%dma_start3A_64 : memref<128xi32, #tpu.memory_space<vmem>>) semaphore(%dma_start3A_69 : memref<!tpu.dma_semaphore, #tpu.memory_space<semaphore_mem>>)
    %dma_start3A_70 = arith.constant 0 : i32
    %dma_start3A_71 = arith.constant 0 : i32
    %dma_start3A_72 = arith.constant 0 : i32
    %dma_start3A_73 = arith.constant 128 : i32
    %dma_start3A_74 = arith.constant 0 : i32
    %dma_start3A_75 = tpu.memref_slice %arg6[%dma_start3A_71, %dma_start3A_73, %dma_start3A_74] : memref<2x400x64xf32, #tpu.memory_space<vmem>> -> memref<1x128x64xf32, #tpu.memory_space<vmem>>
    %dma_start3A_76 = tpu.memref_squeeze %dma_start3A_75 : memref<1x128x64xf32, #tpu.memory_space<vmem>> -> memref<128x64xf32, #tpu.memory_space<vmem>>
    %dma_start3A_77 = arith.constant 128 : i32
    %dma_start3A_78 = tpu.memref_slice %arg5[%dma_start3A_70, %dma_start3A_77] : memref<2x400xi32, #tpu.memory_space<vmem>> -> memref<1x128xi32, #tpu.memory_space<vmem>>
    %dma_start3A_79 = tpu.memref_squeeze %dma_start3A_78 : memref<1x128xi32, #tpu.memory_space<vmem>> -> memref<128xi32, #tpu.memory_space<vmem>>
    %dma_start3A_80 = arith.constant 0 : i32
    %dma_start3A_81 = arith.constant 0 : i32
    %dma_start3A_82 = tpu.memref_slice %arg3[%dma_start3A_80, %dma_start3A_81] : memref<1000000x64xf32, #tpu.memory_space<hbm>> -> memref<1000000x64xf32, #tpu.memory_space<hbm>>
    %dma_start3A_83 = tpu.memref_slice %arg8[%dma_start3A_72] : memref<2x!tpu.dma_semaphore, #tpu.memory_space<semaphore_mem>> -> memref<1x!tpu.dma_semaphore, #tpu.memory_space<semaphore_mem>>
    %dma_start3A_84 = tpu.memref_squeeze %dma_start3A_83 : memref<1x!tpu.dma_semaphore, #tpu.memory_space<semaphore_mem>> -> memref<!tpu.dma_semaphore, #tpu.memory_space<semaphore_mem>>
    tpu.enqueue_indirect_dma source(%dma_start3A_82 : memref<1000000x64xf32, #tpu.memory_space<hbm>>) target(%dma_start3A_76 : memref<128x64xf32, #tpu.memory_space<vmem>>) offsets(%dma_start3A_79 : memref<128xi32, #tpu.memory_space<vmem>>) semaphore(%dma_start3A_84 : memref<!tpu.dma_semaphore, #tpu.memory_space<semaphore_mem>>)
    %dma_start3A_85 = arith.constant 0 : i32
    %dma_start3A_86 = arith.constant 0 : i32
    %dma_start3A_87 = arith.constant 0 : i32
    %dma_start3A_88 = arith.constant 256 : i32
    %dma_start3A_89 = arith.constant 0 : i32
    %dma_start3A_90 = tpu.memref_slice %arg6[%dma_start3A_86, %dma_start3A_88, %dma_start3A_89] : memref<2x400x64xf32, #tpu.memory_space<vmem>> -> memref<1x128x64xf32, #tpu.memory_space<vmem>>
    %dma_start3A_91 = tpu.memref_squeeze %dma_start3A_90 : memref<1x128x64xf32, #tpu.memory_space<vmem>> -> memref<128x64xf32, #tpu.memory_space<vmem>>
    %dma_start3A_92 = arith.constant 256 : i32
    %dma_start3A_93 = tpu.memref_slice %arg5[%dma_start3A_85, %dma_start3A_92] : memref<2x400xi32, #tpu.memory_space<vmem>> -> memref<1x128xi32, #tpu.memory_space<vmem>>
    %dma_start3A_94 = tpu.memref_squeeze %dma_start3A_93 : memref<1x128xi32, #tpu.memory_space<vmem>> -> memref<128xi32, #tpu.memory_space<vmem>>
    %dma_start3A_95 = arith.constant 0 : i32
    %dma_start3A_96 = arith.constant 0 : i32
    %dma_start3A_97 = tpu.memref_slice %arg3[%dma_start3A_95, %dma_start3A_96] : memref<1000000x64xf32, #tpu.memory_space<hbm>> -> memref<1000000x64xf32, #tpu.memory_space<hbm>>
    %dma_start3A_98 = tpu.memref_slice %arg8[%dma_start3A_87] : memref<2x!tpu.dma_semaphore, #tpu.memory_space<semaphore_mem>> -> memref<1x!tpu.dma_semaphore, #tpu.memory_space<semaphore_mem>>
    %dma_start3A_99 = tpu.memref_squeeze %dma_start3A_98 : memref<1x!tpu.dma_semaphore, #tpu.memory_space<semaphore_mem>> -> memref<!tpu.dma_semaphore, #tpu.memory_space<semaphore_mem>>
    tpu.enqueue_indirect_dma source(%dma_start3A_97 : memref<1000000x64xf32, #tpu.memory_space<hbm>>) target(%dma_start3A_91 : memref<128x64xf32, #tpu.memory_space<vmem>>) offsets(%dma_start3A_94 : memref<128xi32, #tpu.memory_space<vmem>>) semaphore(%dma_start3A_99 : memref<!tpu.dma_semaphore, #tpu.memory_space<semaphore_mem>>)
    %dma_start3A_100 = arith.constant 0 : i32
    %dma_start3A_101 = arith.constant 0 : i32
    %dma_start3A_102 = arith.constant 0 : i32
    %dma_start3A_103 = arith.constant 384 : i32
    %dma_start3A_104 = arith.constant 0 : i32
    %dma_start3A_105 = tpu.memref_slice %arg6[%dma_start3A_101, %dma_start3A_103, %dma_start3A_104] : memref<2x400x64xf32, #tpu.memory_space<vmem>> -> memref<1x16x64xf32, #tpu.memory_space<vmem>>
    %dma_start3A_106 = tpu.memref_squeeze %dma_start3A_105 : memref<1x16x64xf32, #tpu.memory_space<vmem>> -> memref<16x64xf32, #tpu.memory_space<vmem>>
    %dma_start3A_107 = arith.constant 384 : i32
    %dma_start3A_108 = tpu.memref_slice %arg5[%dma_start3A_100, %dma_start3A_107] : memref<2x400xi32, #tpu.memory_space<vmem>> -> memref<1x16xi32, #tpu.memory_space<vmem>>
    %dma_start3A_109 = tpu.memref_squeeze %dma_start3A_108 : memref<1x16xi32, #tpu.memory_space<vmem>> -> memref<16xi32, #tpu.memory_space<vmem>>
    %dma_start3A_110 = arith.constant 0 : i32
    %dma_start3A_111 = arith.constant 0 : i32
    %dma_start3A_112 = tpu.memref_slice %arg3[%dma_start3A_110, %dma_start3A_111] : memref<1000000x64xf32, #tpu.memory_space<hbm>> -> memref<1000000x64xf32, #tpu.memory_space<hbm>>
    %dma_start3A_113 = tpu.memref_slice %arg8[%dma_start3A_102] : memref<2x!tpu.dma_semaphore, #tpu.memory_space<semaphore_mem>> -> memref<1x!tpu.dma_semaphore, #tpu.memory_space<semaphore_mem>>
    %dma_start3A_114 = tpu.memref_squeeze %dma_start3A_113 : memref<1x!tpu.dma_semaphore, #tpu.memory_space<semaphore_mem>> -> memref<!tpu.dma_semaphore, #tpu.memory_space<semaphore_mem>>
    tpu.enqueue_indirect_dma source(%dma_start3A_112 : memref<1000000x64xf32, #tpu.memory_space<hbm>>) target(%dma_start3A_106 : memref<16x64xf32, #tpu.memory_space<vmem>>) offsets(%dma_start3A_109 : memref<16xi32, #tpu.memory_space<vmem>>) semaphore(%dma_start3A_114 : memref<!tpu.dma_semaphore, #tpu.memory_space<semaphore_mem>>)
    %scan3A = arith.constant 0 : i32
    %scan3A_115 = arith.constant 0 : i32
    %scan3A_116 = arith.constant 32 : i32
    %scan3A_117 = arith.addi %scan3A_115, %scan3A_116 : i32
    %scan3A_118 = arith.constant 1 : i32
    scf.for %scan3A_164 = %scan3A_115 to %scan3A_117 step %scan3A_118  : i32 {
      %mul3A_165 = arith.constant 2 : i32
      %mul3A_166 = arith.muli %scan3A_164, %mul3A_165 : i32
      %add3A_167 = arith.constant 0 : i32
      %add3A_168 = arith.addi %mul3A_166, %add3A_167 : i32
      %add3A_169 = arith.constant 1 : i32
      %add3A_170 = arith.addi %add3A_168, %add3A_169 : i32
      %lt3A = arith.constant 64 : i32
      %lt3A_171 = arith.cmpi slt, %add3A_170, %lt3A : i32
      %convert_element_type3A = arith.extui %lt3A_171 : i1 to i32
      %cond3A = arith.constant 0 : i32
      %cond3A_172 = arith.cmpi ne, %convert_element_type3A, %cond3A : i32
      scf.if %cond3A_172 {
        %add3A_372 = arith.constant 1 : i32
        %add3A_373 = arith.addi %add3A_168, %add3A_372 : i32
        %add3A_374 = arith.addi %mul3A_2, %add3A_373 : i32
        %dma_wait3A_375 = arith.constant 1 : i32
        %dma_wait3A_376 = arith.constant 1 : i32
        %dma_wait3A_377 = arith.constant 0 : i32
        %dma_wait3A_378 = tpu.memref_slice %arg5[%dma_wait3A_375, %dma_wait3A_377] : memref<2x400xi32, #tpu.memory_space<vmem>> -> memref<1x400xi32, #tpu.memory_space<vmem>>
        %dma_wait3A_379 = tpu.memref_squeeze %dma_wait3A_378 : memref<1x400xi32, #tpu.memory_space<vmem>> -> memref<400xi32, #tpu.memory_space<vmem>>
        %dma_wait3A_380 = arith.constant 0 : i32
        %dma_wait3A_381 = tpu.memref_slice %arg2[%add3A_374, %dma_wait3A_380] : memref<2048x400xi32, #tpu.memory_space<hbm>> -> memref<1x400xi32, #tpu.memory_space<hbm>>
        %dma_wait3A_382 = tpu.memref_squeeze %dma_wait3A_381 : memref<1x400xi32, #tpu.memory_space<hbm>> -> memref<400xi32, #tpu.memory_space<hbm>>
        %dma_wait3A_383 = tpu.memref_slice %arg7[%dma_wait3A_376] : memref<2x!tpu.dma_semaphore, #tpu.memory_space<semaphore_mem>> -> memref<1x!tpu.dma_semaphore, #tpu.memory_space<semaphore_mem>>
        %dma_wait3A_384 = tpu.memref_squeeze %dma_wait3A_383 : memref<1x!tpu.dma_semaphore, #tpu.memory_space<semaphore_mem>> -> memref<!tpu.dma_semaphore, #tpu.memory_space<semaphore_mem>>
        %dma_wait3A_385 = arith.constant 0 : i32
        %dma_wait3A_386 = tpu.memref_slice %arg5[%dma_wait3A_375, %dma_wait3A_385] : memref<2x400xi32, #tpu.memory_space<vmem>> -> memref<1x400xi32, #tpu.memory_space<vmem>>
        %dma_wait3A_387 = tpu.memref_squeeze %dma_wait3A_386 : memref<1x400xi32, #tpu.memory_space<vmem>> -> memref<400xi32, #tpu.memory_space<vmem>>
        %dma_wait3A_388 = arith.constant 0 : i32
        %dma_wait3A_389 = tpu.memref_slice %arg2[%add3A_374, %dma_wait3A_388] : memref<2048x400xi32, #tpu.memory_space<hbm>> -> memref<1x400xi32, #tpu.memory_space<hbm>>
        %dma_wait3A_390 = tpu.memref_squeeze %dma_wait3A_389 : memref<1x400xi32, #tpu.memory_space<hbm>> -> memref<400xi32, #tpu.memory_space<hbm>>
        tpu.wait_dma2 semaphore(%dma_wait3A_384 : memref<!tpu.dma_semaphore, #tpu.memory_space<semaphore_mem>>) src(%dma_wait3A_390 : memref<400xi32, #tpu.memory_space<hbm>>) dst(%dma_wait3A_387 : memref<400xi32, #tpu.memory_space<vmem>>)
        %ge3A = arith.constant 1 : i32
        %ge3A_391 = arith.cmpi sge, %add3A_168, %ge3A : i32
        %convert_element_type3A_392 = arith.extui %ge3A_391 : i1 to i32
        %cond3A_393 = arith.constant 0 : i32
        %cond3A_394 = arith.cmpi ne, %convert_element_type3A_392, %cond3A_393 : i32
        scf.if %cond3A_394 {
          %sub3A = arith.constant 1 : i32
          %sub3A_457 = arith.subi %add3A_168, %sub3A : i32
          %add3A_458 = arith.addi %mul3A_2, %sub3A_457 : i32
          %dma_wait3A_459 = arith.constant 1 : i32
          %dma_wait3A_460 = arith.constant 1 : i32
          %dma_wait3A_461 = arith.constant 0 : i32
          %dma_wait3A_462 = arith.constant 0 : i32
          %dma_wait3A_463 = tpu.memref_slice %arg6[%dma_wait3A_459, %dma_wait3A_461, %dma_wait3A_462] : memref<2x400x64xf32, #tpu.memory_space<vmem>> -> memref<1x400x64xf32, #tpu.memory_space<vmem>>
          %dma_wait3A_464 = tpu.memref_squeeze %dma_wait3A_463 : memref<1x400x64xf32, #tpu.memory_space<vmem>> -> memref<400x64xf32, #tpu.memory_space<vmem>>
          %dma_wait3A_465 = arith.constant 0 : i32
          %dma_wait3A_466 = arith.constant 0 : i32
          %dma_wait3A_467 = tpu.memref_slice %arg4[%add3A_458, %dma_wait3A_465, %dma_wait3A_466] : memref<2048x400x64xf32, #tpu.memory_space<hbm>> -> memref<1x400x64xf32, #tpu.memory_space<hbm>>
          %dma_wait3A_468 = tpu.memref_squeeze %dma_wait3A_467 : memref<1x400x64xf32, #tpu.memory_space<hbm>> -> memref<400x64xf32, #tpu.memory_space<hbm>>
          %dma_wait3A_469 = tpu.memref_slice %arg9[%dma_wait3A_460] : memref<2x!tpu.dma_semaphore, #tpu.memory_space<semaphore_mem>> -> memref<1x!tpu.dma_semaphore, #tpu.memory_space<semaphore_mem>>
          %dma_wait3A_470 = tpu.memref_squeeze %dma_wait3A_469 : memref<1x!tpu.dma_semaphore, #tpu.memory_space<semaphore_mem>> -> memref<!tpu.dma_semaphore, #tpu.memory_space<semaphore_mem>>
          %dma_wait3A_471 = arith.constant 0 : i32
          %dma_wait3A_472 = arith.constant 0 : i32
          %dma_wait3A_473 = tpu.memref_slice %arg4[%add3A_458, %dma_wait3A_471, %dma_wait3A_472] : memref<2048x400x64xf32, #tpu.memory_space<hbm>> -> memref<1x400x64xf32, #tpu.memory_space<hbm>>
          %dma_wait3A_474 = tpu.memref_squeeze %dma_wait3A_473 : memref<1x400x64xf32, #tpu.memory_space<hbm>> -> memref<400x64xf32, #tpu.memory_space<hbm>>
          %dma_wait3A_475 = arith.constant 0 : i32
          %dma_wait3A_476 = arith.constant 0 : i32
          %dma_wait3A_477 = tpu.memref_slice %arg6[%dma_wait3A_459, %dma_wait3A_475, %dma_wait3A_476] : memref<2x400x64xf32, #tpu.memory_space<vmem>> -> memref<1x400x64xf32, #tpu.memory_space<vmem>>
          %dma_wait3A_478 = tpu.memref_squeeze %dma_wait3A_477 : memref<1x400x64xf32, #tpu.memory_space<vmem>> -> memref<400x64xf32, #tpu.memory_space<vmem>>
          tpu.wait_dma2 semaphore(%dma_wait3A_470 : memref<!tpu.dma_semaphore, #tpu.memory_space<semaphore_mem>>) src(%dma_wait3A_478 : memref<400x64xf32, #tpu.memory_space<vmem>>) dst(%dma_wait3A_474 : memref<400x64xf32, #tpu.memory_space<hbm>>)
        } else {
        }
        %add3A_395 = arith.constant 1 : i32
        %add3A_396 = arith.addi %add3A_168, %add3A_395 : i32
        %dma_start3A_397 = arith.constant 1 : i32
        %dma_start3A_398 = arith.constant 1 : i32
        %dma_start3A_399 = arith.constant 1 : i32
        %dma_start3A_400 = arith.constant 0 : i32
        %dma_start3A_401 = arith.constant 0 : i32
        %dma_start3A_402 = tpu.memref_slice %arg6[%dma_start3A_398, %dma_start3A_400, %dma_start3A_401] : memref<2x400x64xf32, #tpu.memory_space<vmem>> -> memref<1x128x64xf32, #tpu.memory_space<vmem>>
        %dma_start3A_403 = tpu.memref_squeeze %dma_start3A_402 : memref<1x128x64xf32, #tpu.memory_space<vmem>> -> memref<128x64xf32, #tpu.memory_space<vmem>>
        %dma_start3A_404 = arith.constant 0 : i32
        %dma_start3A_405 = tpu.memref_slice %arg5[%dma_start3A_397, %dma_start3A_404] : memref<2x400xi32, #tpu.memory_space<vmem>> -> memref<1x128xi32, #tpu.memory_space<vmem>>
        %dma_start3A_406 = tpu.memref_squeeze %dma_start3A_405 : memref<1x128xi32, #tpu.memory_space<vmem>> -> memref<128xi32, #tpu.memory_space<vmem>>
        %dma_start3A_407 = arith.constant 0 : i32
        %dma_start3A_408 = arith.constant 0 : i32
        %dma_start3A_409 = tpu.memref_slice %arg3[%dma_start3A_407, %dma_start3A_408] : memref<1000000x64xf32, #tpu.memory_space<hbm>> -> memref<1000000x64xf32, #tpu.memory_space<hbm>>
        %dma_start3A_410 = tpu.memref_slice %arg8[%dma_start3A_399] : memref<2x!tpu.dma_semaphore, #tpu.memory_space<semaphore_mem>> -> memref<1x!tpu.dma_semaphore, #tpu.memory_space<semaphore_mem>>
        %dma_start3A_411 = tpu.memref_squeeze %dma_start3A_410 : memref<1x!tpu.dma_semaphore, #tpu.memory_space<semaphore_mem>> -> memref<!tpu.dma_semaphore, #tpu.memory_space<semaphore_mem>>
        tpu.enqueue_indirect_dma source(%dma_start3A_409 : memref<1000000x64xf32, #tpu.memory_space<hbm>>) target(%dma_start3A_403 : memref<128x64xf32, #tpu.memory_space<vmem>>) offsets(%dma_start3A_406 : memref<128xi32, #tpu.memory_space<vmem>>) semaphore(%dma_start3A_411 : memref<!tpu.dma_semaphore, #tpu.memory_space<semaphore_mem>>)
        %dma_start3A_412 = arith.constant 1 : i32
        %dma_start3A_413 = arith.constant 1 : i32
        %dma_start3A_414 = arith.constant 1 : i32
        %dma_start3A_415 = arith.constant 128 : i32
        %dma_start3A_416 = arith.constant 0 : i32
        %dma_start3A_417 = tpu.memref_slice %arg6[%dma_start3A_413, %dma_start3A_415, %dma_start3A_416] : memref<2x400x64xf32, #tpu.memory_space<vmem>> -> memref<1x128x64xf32, #tpu.memory_space<vmem>>
        %dma_start3A_418 = tpu.memref_squeeze %dma_start3A_417 : memref<1x128x64xf32, #tpu.memory_space<vmem>> -> memref<128x64xf32, #tpu.memory_space<vmem>>
        %dma_start3A_419 = arith.constant 128 : i32
        %dma_start3A_420 = tpu.memref_slice %arg5[%dma_start3A_412, %dma_start3A_419] : memref<2x400xi32, #tpu.memory_space<vmem>> -> memref<1x128xi32, #tpu.memory_space<vmem>>
        %dma_start3A_421 = tpu.memref_squeeze %dma_start3A_420 : memref<1x128xi32, #tpu.memory_space<vmem>> -> memref<128xi32, #tpu.memory_space<vmem>>
        %dma_start3A_422 = arith.constant 0 : i32
        %dma_start3A_423 = arith.constant 0 : i32
        %dma_start3A_424 = tpu.memref_slice %arg3[%dma_start3A_422, %dma_start3A_423] : memref<1000000x64xf32, #tpu.memory_space<hbm>> -> memref<1000000x64xf32, #tpu.memory_space<hbm>>
        %dma_start3A_425 = tpu.memref_slice %arg8[%dma_start3A_414] : memref<2x!tpu.dma_semaphore, #tpu.memory_space<semaphore_mem>> -> memref<1x!tpu.dma_semaphore, #tpu.memory_space<semaphore_mem>>
        %dma_start3A_426 = tpu.memref_squeeze %dma_start3A_425 : memref<1x!tpu.dma_semaphore, #tpu.memory_space<semaphore_mem>> -> memref<!tpu.dma_semaphore, #tpu.memory_space<semaphore_mem>>
        tpu.enqueue_indirect_dma source(%dma_start3A_424 : memref<1000000x64xf32, #tpu.memory_space<hbm>>) target(%dma_start3A_418 : memref<128x64xf32, #tpu.memory_space<vmem>>) offsets(%dma_start3A_421 : memref<128xi32, #tpu.memory_space<vmem>>) semaphore(%dma_start3A_426 : memref<!tpu.dma_semaphore, #tpu.memory_space<semaphore_mem>>)
        %dma_start3A_427 = arith.constant 1 : i32
        %dma_start3A_428 = arith.constant 1 : i32
        %dma_start3A_429 = arith.constant 1 : i32
        %dma_start3A_430 = arith.constant 256 : i32
        %dma_start3A_431 = arith.constant 0 : i32
        %dma_start3A_432 = tpu.memref_slice %arg6[%dma_start3A_428, %dma_start3A_430, %dma_start3A_431] : memref<2x400x64xf32, #tpu.memory_space<vmem>> -> memref<1x128x64xf32, #tpu.memory_space<vmem>>
        %dma_start3A_433 = tpu.memref_squeeze %dma_start3A_432 : memref<1x128x64xf32, #tpu.memory_space<vmem>> -> memref<128x64xf32, #tpu.memory_space<vmem>>
        %dma_start3A_434 = arith.constant 256 : i32
        %dma_start3A_435 = tpu.memref_slice %arg5[%dma_start3A_427, %dma_start3A_434] : memref<2x400xi32, #tpu.memory_space<vmem>> -> memref<1x128xi32, #tpu.memory_space<vmem>>
        %dma_start3A_436 = tpu.memref_squeeze %dma_start3A_435 : memref<1x128xi32, #tpu.memory_space<vmem>> -> memref<128xi32, #tpu.memory_space<vmem>>
        %dma_start3A_437 = arith.constant 0 : i32
        %dma_start3A_438 = arith.constant 0 : i32
        %dma_start3A_439 = tpu.memref_slice %arg3[%dma_start3A_437, %dma_start3A_438] : memref<1000000x64xf32, #tpu.memory_space<hbm>> -> memref<1000000x64xf32, #tpu.memory_space<hbm>>
        %dma_start3A_440 = tpu.memref_slice %arg8[%dma_start3A_429] : memref<2x!tpu.dma_semaphore, #tpu.memory_space<semaphore_mem>> -> memref<1x!tpu.dma_semaphore, #tpu.memory_space<semaphore_mem>>
        %dma_start3A_441 = tpu.memref_squeeze %dma_start3A_440 : memref<1x!tpu.dma_semaphore, #tpu.memory_space<semaphore_mem>> -> memref<!tpu.dma_semaphore, #tpu.memory_space<semaphore_mem>>
        tpu.enqueue_indirect_dma source(%dma_start3A_439 : memref<1000000x64xf32, #tpu.memory_space<hbm>>) target(%dma_start3A_433 : memref<128x64xf32, #tpu.memory_space<vmem>>) offsets(%dma_start3A_436 : memref<128xi32, #tpu.memory_space<vmem>>) semaphore(%dma_start3A_441 : memref<!tpu.dma_semaphore, #tpu.memory_space<semaphore_mem>>)
        %dma_start3A_442 = arith.constant 1 : i32
        %dma_start3A_443 = arith.constant 1 : i32
        %dma_start3A_444 = arith.constant 1 : i32
        %dma_start3A_445 = arith.constant 384 : i32
        %dma_start3A_446 = arith.constant 0 : i32
        %dma_start3A_447 = tpu.memref_slice %arg6[%dma_start3A_443, %dma_start3A_445, %dma_start3A_446] : memref<2x400x64xf32, #tpu.memory_space<vmem>> -> memref<1x16x64xf32, #tpu.memory_space<vmem>>
        %dma_start3A_448 = tpu.memref_squeeze %dma_start3A_447 : memref<1x16x64xf32, #tpu.memory_space<vmem>> -> memref<16x64xf32, #tpu.memory_space<vmem>>
        %dma_start3A_449 = arith.constant 384 : i32
        %dma_start3A_450 = tpu.memref_slice %arg5[%dma_start3A_442, %dma_start3A_449] : memref<2x400xi32, #tpu.memory_space<vmem>> -> memref<1x16xi32, #tpu.memory_space<vmem>>
        %dma_start3A_451 = tpu.memref_squeeze %dma_start3A_450 : memref<1x16xi32, #tpu.memory_space<vmem>> -> memref<16xi32, #tpu.memory_space<vmem>>
        %dma_start3A_452 = arith.constant 0 : i32
        %dma_start3A_453 = arith.constant 0 : i32
        %dma_start3A_454 = tpu.memref_slice %arg3[%dma_start3A_452, %dma_start3A_453] : memref<1000000x64xf32, #tpu.memory_space<hbm>> -> memref<1000000x64xf32, #tpu.memory_space<hbm>>
        %dma_start3A_455 = tpu.memref_slice %arg8[%dma_start3A_444] : memref<2x!tpu.dma_semaphore, #tpu.memory_space<semaphore_mem>> -> memref<1x!tpu.dma_semaphore, #tpu.memory_space<semaphore_mem>>
        %dma_start3A_456 = tpu.memref_squeeze %dma_start3A_455 : memref<1x!tpu.dma_semaphore, #tpu.memory_space<semaphore_mem>> -> memref<!tpu.dma_semaphore, #tpu.memory_space<semaphore_mem>>
        tpu.enqueue_indirect_dma source(%dma_start3A_454 : memref<1000000x64xf32, #tpu.memory_space<hbm>>) target(%dma_start3A_448 : memref<16x64xf32, #tpu.memory_space<vmem>>) offsets(%dma_start3A_451 : memref<16xi32, #tpu.memory_space<vmem>>) semaphore(%dma_start3A_456 : memref<!tpu.dma_semaphore, #tpu.memory_space<semaphore_mem>>)
      } else {
      }
      %dma_wait3A_173 = arith.constant 0 : i32
      %dma_wait3A_174 = arith.constant 0 : i32
      %dma_wait3A_175 = arith.constant 0 : i32
      %dma_wait3A_176 = arith.constant 0 : i32
      %dma_wait3A_177 = arith.constant 0 : i32
      %dma_wait3A_178 = tpu.memref_slice %arg6[%dma_wait3A_174, %dma_wait3A_176, %dma_wait3A_177] : memref<2x400x64xf32, #tpu.memory_space<vmem>> -> memref<1x128x64xf32, #tpu.memory_space<vmem>>
      %dma_wait3A_179 = tpu.memref_squeeze %dma_wait3A_178 : memref<1x128x64xf32, #tpu.memory_space<vmem>> -> memref<128x64xf32, #tpu.memory_space<vmem>>
      %dma_wait3A_180 = arith.constant 0 : i32
      %dma_wait3A_181 = tpu.memref_slice %arg5[%dma_wait3A_173, %dma_wait3A_180] : memref<2x400xi32, #tpu.memory_space<vmem>> -> memref<1x128xi32, #tpu.memory_space<vmem>>
      %dma_wait3A_182 = tpu.memref_squeeze %dma_wait3A_181 : memref<1x128xi32, #tpu.memory_space<vmem>> -> memref<128xi32, #tpu.memory_space<vmem>>
      %dma_wait3A_183 = arith.constant 0 : i32
      %dma_wait3A_184 = arith.constant 0 : i32
      %dma_wait3A_185 = tpu.memref_slice %arg3[%dma_wait3A_183, %dma_wait3A_184] : memref<1000000x64xf32, #tpu.memory_space<hbm>> -> memref<1000000x64xf32, #tpu.memory_space<hbm>>
      %dma_wait3A_186 = tpu.memref_slice %arg8[%dma_wait3A_175] : memref<2x!tpu.dma_semaphore, #tpu.memory_space<semaphore_mem>> -> memref<1x!tpu.dma_semaphore, #tpu.memory_space<semaphore_mem>>
      %dma_wait3A_187 = tpu.memref_squeeze %dma_wait3A_186 : memref<1x!tpu.dma_semaphore, #tpu.memory_space<semaphore_mem>> -> memref<!tpu.dma_semaphore, #tpu.memory_space<semaphore_mem>>
      tpu.wait_indirect_dma semaphore(%dma_wait3A_187 : memref<!tpu.dma_semaphore, #tpu.memory_space<semaphore_mem>>) src(%dma_wait3A_185 : memref<1000000x64xf32, #tpu.memory_space<hbm>>) dst(%dma_wait3A_179 : memref<128x64xf32, #tpu.memory_space<vmem>>)
      %dma_wait3A_188 = arith.constant 0 : i32
      %dma_wait3A_189 = arith.constant 0 : i32
      %dma_wait3A_190 = arith.constant 0 : i32
      %dma_wait3A_191 = arith.constant 128 : i32
      %dma_wait3A_192 = arith.constant 0 : i32
      %dma_wait3A_193 = tpu.memref_slice %arg6[%dma_wait3A_189, %dma_wait3A_191, %dma_wait3A_192] : memref<2x400x64xf32, #tpu.memory_space<vmem>> -> memref<1x128x64xf32, #tpu.memory_space<vmem>>
      %dma_wait3A_194 = tpu.memref_squeeze %dma_wait3A_193 : memref<1x128x64xf32, #tpu.memory_space<vmem>> -> memref<128x64xf32, #tpu.memory_space<vmem>>
      %dma_wait3A_195 = arith.constant 128 : i32
      %dma_wait3A_196 = tpu.memref_slice %arg5[%dma_wait3A_188, %dma_wait3A_195] : memref<2x400xi32, #tpu.memory_space<vmem>> -> memref<1x128xi32, #tpu.memory_space<vmem>>
      %dma_wait3A_197 = tpu.memref_squeeze %dma_wait3A_196 : memref<1x128xi32, #tpu.memory_space<vmem>> -> memref<128xi32, #tpu.memory_space<vmem>>
      %dma_wait3A_198 = arith.constant 0 : i32
      %dma_wait3A_199 = arith.constant 0 : i32
      %dma_wait3A_200 = tpu.memref_slice %arg3[%dma_wait3A_198, %dma_wait3A_199] : memref<1000000x64xf32, #tpu.memory_space<hbm>> -> memref<1000000x64xf32, #tpu.memory_space<hbm>>
      %dma_wait3A_201 = tpu.memref_slice %arg8[%dma_wait3A_190] : memref<2x!tpu.dma_semaphore, #tpu.memory_space<semaphore_mem>> -> memref<1x!tpu.dma_semaphore, #tpu.memory_space<semaphore_mem>>
      %dma_wait3A_202 = tpu.memref_squeeze %dma_wait3A_201 : memref<1x!tpu.dma_semaphore, #tpu.memory_space<semaphore_mem>> -> memref<!tpu.dma_semaphore, #tpu.memory_space<semaphore_mem>>
      tpu.wait_indirect_dma semaphore(%dma_wait3A_202 : memref<!tpu.dma_semaphore, #tpu.memory_space<semaphore_mem>>) src(%dma_wait3A_200 : memref<1000000x64xf32, #tpu.memory_space<hbm>>) dst(%dma_wait3A_194 : memref<128x64xf32, #tpu.memory_space<vmem>>)
      %dma_wait3A_203 = arith.constant 0 : i32
      %dma_wait3A_204 = arith.constant 0 : i32
      %dma_wait3A_205 = arith.constant 0 : i32
      %dma_wait3A_206 = arith.constant 256 : i32
      %dma_wait3A_207 = arith.constant 0 : i32
      %dma_wait3A_208 = tpu.memref_slice %arg6[%dma_wait3A_204, %dma_wait3A_206, %dma_wait3A_207] : memref<2x400x64xf32, #tpu.memory_space<vmem>> -> memref<1x128x64xf32, #tpu.memory_space<vmem>>
      %dma_wait3A_209 = tpu.memref_squeeze %dma_wait3A_208 : memref<1x128x64xf32, #tpu.memory_space<vmem>> -> memref<128x64xf32, #tpu.memory_space<vmem>>
      %dma_wait3A_210 = arith.constant 256 : i32
      %dma_wait3A_211 = tpu.memref_slice %arg5[%dma_wait3A_203, %dma_wait3A_210] : memref<2x400xi32, #tpu.memory_space<vmem>> -> memref<1x128xi32, #tpu.memory_space<vmem>>
      %dma_wait3A_212 = tpu.memref_squeeze %dma_wait3A_211 : memref<1x128xi32, #tpu.memory_space<vmem>> -> memref<128xi32, #tpu.memory_space<vmem>>
      %dma_wait3A_213 = arith.constant 0 : i32
      %dma_wait3A_214 = arith.constant 0 : i32
      %dma_wait3A_215 = tpu.memref_slice %arg3[%dma_wait3A_213, %dma_wait3A_214] : memref<1000000x64xf32, #tpu.memory_space<hbm>> -> memref<1000000x64xf32, #tpu.memory_space<hbm>>
      %dma_wait3A_216 = tpu.memref_slice %arg8[%dma_wait3A_205] : memref<2x!tpu.dma_semaphore, #tpu.memory_space<semaphore_mem>> -> memref<1x!tpu.dma_semaphore, #tpu.memory_space<semaphore_mem>>
      %dma_wait3A_217 = tpu.memref_squeeze %dma_wait3A_216 : memref<1x!tpu.dma_semaphore, #tpu.memory_space<semaphore_mem>> -> memref<!tpu.dma_semaphore, #tpu.memory_space<semaphore_mem>>
      tpu.wait_indirect_dma semaphore(%dma_wait3A_217 : memref<!tpu.dma_semaphore, #tpu.memory_space<semaphore_mem>>) src(%dma_wait3A_215 : memref<1000000x64xf32, #tpu.memory_space<hbm>>) dst(%dma_wait3A_209 : memref<128x64xf32, #tpu.memory_space<vmem>>)
      %dma_wait3A_218 = arith.constant 0 : i32
      %dma_wait3A_219 = arith.constant 0 : i32
      %dma_wait3A_220 = arith.constant 0 : i32
      %dma_wait3A_221 = arith.constant 384 : i32
      %dma_wait3A_222 = arith.constant 0 : i32
      %dma_wait3A_223 = tpu.memref_slice %arg6[%dma_wait3A_219, %dma_wait3A_221, %dma_wait3A_222] : memref<2x400x64xf32, #tpu.memory_space<vmem>> -> memref<1x16x64xf32, #tpu.memory_space<vmem>>
      %dma_wait3A_224 = tpu.memref_squeeze %dma_wait3A_223 : memref<1x16x64xf32, #tpu.memory_space<vmem>> -> memref<16x64xf32, #tpu.memory_space<vmem>>
      %dma_wait3A_225 = arith.constant 384 : i32
      %dma_wait3A_226 = tpu.memref_slice %arg5[%dma_wait3A_218, %dma_wait3A_225] : memref<2x400xi32, #tpu.memory_space<vmem>> -> memref<1x16xi32, #tpu.memory_space<vmem>>
      %dma_wait3A_227 = tpu.memref_squeeze %dma_wait3A_226 : memref<1x16xi32, #tpu.memory_space<vmem>> -> memref<16xi32, #tpu.memory_space<vmem>>
      %dma_wait3A_228 = arith.constant 0 : i32
      %dma_wait3A_229 = arith.constant 0 : i32
      %dma_wait3A_230 = tpu.memref_slice %arg3[%dma_wait3A_228, %dma_wait3A_229] : memref<1000000x64xf32, #tpu.memory_space<hbm>> -> memref<1000000x64xf32, #tpu.memory_space<hbm>>
      %dma_wait3A_231 = tpu.memref_slice %arg8[%dma_wait3A_220] : memref<2x!tpu.dma_semaphore, #tpu.memory_space<semaphore_mem>> -> memref<1x!tpu.dma_semaphore, #tpu.memory_space<semaphore_mem>>
      %dma_wait3A_232 = tpu.memref_squeeze %dma_wait3A_231 : memref<1x!tpu.dma_semaphore, #tpu.memory_space<semaphore_mem>> -> memref<!tpu.dma_semaphore, #tpu.memory_space<semaphore_mem>>
      tpu.wait_indirect_dma semaphore(%dma_wait3A_232 : memref<!tpu.dma_semaphore, #tpu.memory_space<semaphore_mem>>) src(%dma_wait3A_230 : memref<1000000x64xf32, #tpu.memory_space<hbm>>) dst(%dma_wait3A_224 : memref<16x64xf32, #tpu.memory_space<vmem>>)
      %add3A_233 = arith.constant 2 : i32
      %add3A_234 = arith.addi %add3A_168, %add3A_233 : i32
      %lt3A_235 = arith.constant 64 : i32
      %lt3A_236 = arith.cmpi slt, %add3A_234, %lt3A_235 : i32
      %convert_element_type3A_237 = arith.extui %lt3A_236 : i1 to i32
      %cond3A_238 = arith.constant 0 : i32
      %cond3A_239 = arith.cmpi ne, %convert_element_type3A_237, %cond3A_238 : i32
      scf.if %cond3A_239 {
        %add3A_372 = arith.constant 2 : i32
        %add3A_373 = arith.addi %add3A_168, %add3A_372 : i32
        %add3A_374 = arith.addi %mul3A_2, %add3A_373 : i32
        %dma_start3A_375 = arith.constant 0 : i32
        %dma_start3A_376 = arith.constant 0 : i32
        %dma_start3A_377 = arith.constant 0 : i32
        %dma_start3A_378 = tpu.memref_slice %arg5[%dma_start3A_375, %dma_start3A_377] : memref<2x400xi32, #tpu.memory_space<vmem>> -> memref<1x400xi32, #tpu.memory_space<vmem>>
        %dma_start3A_379 = tpu.memref_squeeze %dma_start3A_378 : memref<1x400xi32, #tpu.memory_space<vmem>> -> memref<400xi32, #tpu.memory_space<vmem>>
        %dma_start3A_380 = arith.constant 0 : i32
        %dma_start3A_381 = tpu.memref_slice %arg2[%add3A_374, %dma_start3A_380] : memref<2048x400xi32, #tpu.memory_space<hbm>> -> memref<1x400xi32, #tpu.memory_space<hbm>>
        %dma_start3A_382 = tpu.memref_squeeze %dma_start3A_381 : memref<1x400xi32, #tpu.memory_space<hbm>> -> memref<400xi32, #tpu.memory_space<hbm>>
        %dma_start3A_383 = tpu.memref_slice %arg7[%dma_start3A_376] : memref<2x!tpu.dma_semaphore, #tpu.memory_space<semaphore_mem>> -> memref<1x!tpu.dma_semaphore, #tpu.memory_space<semaphore_mem>>
        %dma_start3A_384 = tpu.memref_squeeze %dma_start3A_383 : memref<1x!tpu.dma_semaphore, #tpu.memory_space<semaphore_mem>> -> memref<!tpu.dma_semaphore, #tpu.memory_space<semaphore_mem>>
        %dma_start3A_385 = arith.constant 0 : i32
        %dma_start3A_386 = tpu.memref_slice %arg5[%dma_start3A_375, %dma_start3A_385] : memref<2x400xi32, #tpu.memory_space<vmem>> -> memref<1x400xi32, #tpu.memory_space<vmem>>
        %dma_start3A_387 = tpu.memref_squeeze %dma_start3A_386 : memref<1x400xi32, #tpu.memory_space<vmem>> -> memref<400xi32, #tpu.memory_space<vmem>>
        %dma_start3A_388 = arith.constant 0 : i32
        %dma_start3A_389 = tpu.memref_slice %arg2[%add3A_374, %dma_start3A_388] : memref<2048x400xi32, #tpu.memory_space<hbm>> -> memref<1x400xi32, #tpu.memory_space<hbm>>
        %dma_start3A_390 = tpu.memref_squeeze %dma_start3A_389 : memref<1x400xi32, #tpu.memory_space<hbm>> -> memref<400xi32, #tpu.memory_space<hbm>>
        tpu.enqueue_dma source(%dma_start3A_390 : memref<400xi32, #tpu.memory_space<hbm>>) target(%dma_start3A_387 : memref<400xi32, #tpu.memory_space<vmem>>) target_semaphore(%dma_start3A_384 : memref<!tpu.dma_semaphore, #tpu.memory_space<semaphore_mem>>)
      } else {
      }
      %scan3A_240 = arith.constant 0 : i32
      %scan3A_241 = arith.constant 0 : i32
      %scan3A_242 = arith.constant 1600 : i32
      %scan3A_243 = arith.addi %scan3A_241, %scan3A_242 : i32
      %scan3A_244 = arith.constant 8 : i32
      scf.for %scan3A_372 = %scan3A_241 to %scan3A_243 step %scan3A_244  : i32 {
        %jit3A = arith.constant 4 : i32
        %div3A = arith.divsi %scan3A_372, %jit3A : i32
        %sign3A = arith.constant 0 : i32
        %sign3A_373 = arith.cmpi sgt, %scan3A_372, %sign3A : i32
        %sign3A_374 = arith.extui %sign3A_373 : i1 to i32
        %sign3A_375 = arith.constant 0 : i32
        %sign3A_376 = arith.cmpi slt, %scan3A_372, %sign3A_375 : i32
        %sign3A_377 = arith.extui %sign3A_376 : i1 to i32
        %sign3A_378 = arith.subi %sign3A_374, %sign3A_377 : i32
        %sign3A_379 = arith.constant 0 : i32
        %sign3A_380 = arith.cmpi sgt, %jit3A, %sign3A_379 : i32
        %sign3A_381 = arith.extui %sign3A_380 : i1 to i32
        %sign3A_382 = arith.constant 0 : i32
        %sign3A_383 = arith.cmpi slt, %jit3A, %sign3A_382 : i32
        %sign3A_384 = arith.extui %sign3A_383 : i1 to i32
        %sign3A_385 = arith.subi %sign3A_381, %sign3A_384 : i32
        %ne3A = arith.cmpi ne, %sign3A_378, %sign3A_385 : i32
        %rem3A = arith.remsi %scan3A_372, %jit3A : i32
        %ne3A_386 = arith.constant 0 : i32
        %ne3A_387 = arith.cmpi ne, %rem3A, %ne3A_386 : i32
        %and3A = arith.andi %ne3A, %ne3A_387 : i1
        %sub3A = arith.constant 1 : i32
        %sub3A_388 = arith.subi %div3A, %sub3A : i32
        %select_n3A = arith.select %and3A, %sub3A_388, %div3A : i32
        %jit3A_389 = arith.constant 4 : i32
        %eq3A = arith.constant 0 : i32
        %eq3A_390 = arith.cmpi eq, %jit3A_389, %eq3A : i32
        %jit3A_391 = arith.constant 1 : i32
        %select_n3A_392 = arith.select %eq3A_390, %jit3A_391, %jit3A_389 : i32
        %rem3A_393 = arith.remsi %scan3A_372, %select_n3A_392 : i32
        %ne3A_394 = arith.constant 0 : i32
        %ne3A_395 = arith.cmpi ne, %rem3A_393, %ne3A_394 : i32
        %lt3A_396 = arith.constant 0 : i32
        %lt3A_397 = arith.cmpi slt, %rem3A_393, %lt3A_396 : i32
        %lt3A_398 = arith.constant 0 : i32
        %lt3A_399 = arith.cmpi slt, %select_n3A_392, %lt3A_398 : i32
        %ne3A_400 = arith.xori %lt3A_397, %lt3A_399 : i1
        %and3A_401 = arith.andi %ne3A_400, %ne3A_395 : i1
        %add3A_402 = arith.addi %rem3A_393, %select_n3A_392 : i32
        %select_n3A_403 = arith.select %and3A_401, %add3A_402, %rem3A_393 : i32
        %mul3A_404 = arith.constant 16 : i32
        %mul3A_405 = arith.muli %select_n3A_403, %mul3A_404 : i32
        %get3A = arith.constant 0 : i32
        %get3A_406 = arith.index_cast %get3A : i32 to index
        %get3A_407 = arith.index_cast %select_n3A : i32 to index
        %get3A_408 = arith.index_cast %mul3A_405 : i32 to index
        %get3A_409 = tpu.vector_load %arg6[%get3A_406, %get3A_407, %get3A_408] {strides = array<i32>} : memref<2x400x64xf32, #tpu.memory_space<vmem>>, vector<16xf32>,
        %mul3A_410 = arith.constant 8.000000e+00 : f32
        %mul3A_411 = vector.broadcast %mul3A_410 : f32 to vector<16xf32>
        %mul3A_412 = arith.mulf %get3A_409, %mul3A_411 : vector<16xf32>
        %swap3A = arith.constant 0 : i32
        %swap3A_413 = arith.index_cast %swap3A : i32 to index
        %swap3A_414 = arith.index_cast %select_n3A : i32 to index
        %swap3A_415 = arith.index_cast %mul3A_405 : i32 to index
        %swap3A_416 = tpu.vector_load %arg6[%swap3A_413, %swap3A_414, %swap3A_415] {strides = array<i32>} : memref<2x400x64xf32, #tpu.memory_space<vmem>>, vector<16xf32>,
        tpu.vector_store %arg6[%swap3A_413, %swap3A_414, %swap3A_415], %mul3A_412 {strides = array<i32>} : memref<2x400x64xf32, #tpu.memory_space<vmem>>, vector<16xf32>,
        %scan3A_417 = arith.constant 1 : i32
        %scan3A_418 = arith.addi %scan3A_372, %scan3A_417 : i32
        %jit3A_419 = arith.constant 4 : i32
        %div3A_420 = arith.divsi %scan3A_418, %jit3A_419 : i32
        %sign3A_421 = arith.constant 0 : i32
        %sign3A_422 = arith.cmpi sgt, %scan3A_418, %sign3A_421 : i32
        %sign3A_423 = arith.extui %sign3A_422 : i1 to i32
        %sign3A_424 = arith.constant 0 : i32
        %sign3A_425 = arith.cmpi slt, %scan3A_418, %sign3A_424 : i32
        %sign3A_426 = arith.extui %sign3A_425 : i1 to i32
        %sign3A_427 = arith.subi %sign3A_423, %sign3A_426 : i32
        %sign3A_428 = arith.constant 0 : i32
        %sign3A_429 = arith.cmpi sgt, %jit3A_419, %sign3A_428 : i32
        %sign3A_430 = arith.extui %sign3A_429 : i1 to i32
        %sign3A_431 = arith.constant 0 : i32
        %sign3A_432 = arith.cmpi slt, %jit3A_419, %sign3A_431 : i32
        %sign3A_433 = arith.extui %sign3A_432 : i1 to i32
        %sign3A_434 = arith.subi %sign3A_430, %sign3A_433 : i32
        %ne3A_435 = arith.cmpi ne, %sign3A_427, %sign3A_434 : i32
        %rem3A_436 = arith.remsi %scan3A_418, %jit3A_419 : i32
        %ne3A_437 = arith.constant 0 : i32
        %ne3A_438 = arith.cmpi ne, %rem3A_436, %ne3A_437 : i32
        %and3A_439 = arith.andi %ne3A_435, %ne3A_438 : i1
        %sub3A_440 = arith.constant 1 : i32
        %sub3A_441 = arith.subi %div3A_420, %sub3A_440 : i32
        %select_n3A_442 = arith.select %and3A_439, %sub3A_441, %div3A_420 : i32
        %jit3A_443 = arith.constant 4 : i32
        %eq3A_444 = arith.constant 0 : i32
        %eq3A_445 = arith.cmpi eq, %jit3A_443, %eq3A_444 : i32
        %jit3A_446 = arith.constant 1 : i32
        %select_n3A_447 = arith.select %eq3A_445, %jit3A_446, %jit3A_443 : i32
        %rem3A_448 = arith.remsi %scan3A_418, %select_n3A_447 : i32
        %ne3A_449 = arith.constant 0 : i32
        %ne3A_450 = arith.cmpi ne, %rem3A_448, %ne3A_449 : i32
        %lt3A_451 = arith.constant 0 : i32
        %lt3A_452 = arith.cmpi slt, %rem3A_448, %lt3A_451 : i32
        %lt3A_453 = arith.constant 0 : i32
        %lt3A_454 = arith.cmpi slt, %select_n3A_447, %lt3A_453 : i32
        %ne3A_455 = arith.xori %lt3A_452, %lt3A_454 : i1
        %and3A_456 = arith.andi %ne3A_455, %ne3A_450 : i1
        %add3A_457 = arith.addi %rem3A_448, %select_n3A_447 : i32
        %select_n3A_458 = arith.select %and3A_456, %add3A_457, %rem3A_448 : i32
        %mul3A_459 = arith.constant 16 : i32
        %mul3A_460 = arith.muli %select_n3A_458, %mul3A_459 : i32
        %get3A_461 = arith.constant 0 : i32
        %get3A_462 = arith.index_cast %get3A_461 : i32 to index
        %get3A_463 = arith.index_cast %select_n3A_442 : i32 to index
        %get3A_464 = arith.index_cast %mul3A_460 : i32 to index
        %get3A_465 = tpu.vector_load %arg6[%get3A_462, %get3A_463, %get3A_464] {strides = array<i32>} : memref<2x400x64xf32, #tpu.memory_space<vmem>>, vector<16xf32>,
        %mul3A_466 = arith.constant 8.000000e+00 : f32
        %mul3A_467 = vector.broadcast %mul3A_466 : f32 to vector<16xf32>
        %mul3A_468 = arith.mulf %get3A_465, %mul3A_467 : vector<16xf32>
        %swap3A_469 = arith.constant 0 : i32
        %swap3A_470 = arith.index_cast %swap3A_469 : i32 to index
        %swap3A_471 = arith.index_cast %select_n3A_442 : i32 to index
        %swap3A_472 = arith.index_cast %mul3A_460 : i32 to index
        %swap3A_473 = tpu.vector_load %arg6[%swap3A_470, %swap3A_471, %swap3A_472] {strides = array<i32>} : memref<2x400x64xf32, #tpu.memory_space<vmem>>, vector<16xf32>,
        tpu.vector_store %arg6[%swap3A_470, %swap3A_471, %swap3A_472], %mul3A_468 {strides = array<i32>} : memref<2x400x64xf32, #tpu.memory_space<vmem>>, vector<16xf32>,
        %scan3A_474 = arith.constant 2 : i32
        %scan3A_475 = arith.addi %scan3A_372, %scan3A_474 : i32
        %jit3A_476 = arith.constant 4 : i32
        %div3A_477 = arith.divsi %scan3A_475, %jit3A_476 : i32
        %sign3A_478 = arith.constant 0 : i32
        %sign3A_479 = arith.cmpi sgt, %scan3A_475, %sign3A_478 : i32
        %sign3A_480 = arith.extui %sign3A_479 : i1 to i32
        %sign3A_481 = arith.constant 0 : i32
        %sign3A_482 = arith.cmpi slt, %scan3A_475, %sign3A_481 : i32
        %sign3A_483 = arith.extui %sign3A_482 : i1 to i32
        %sign3A_484 = arith.subi %sign3A_480, %sign3A_483 : i32
        %sign3A_485 = arith.constant 0 : i32
        %sign3A_486 = arith.cmpi sgt, %jit3A_476, %sign3A_485 : i32
        %sign3A_487 = arith.extui %sign3A_486 : i1 to i32
        %sign3A_488 = arith.constant 0 : i32
        %sign3A_489 = arith.cmpi slt, %jit3A_476, %sign3A_488 : i32
        %sign3A_490 = arith.extui %sign3A_489 : i1 to i32
        %sign3A_491 = arith.subi %sign3A_487, %sign3A_490 : i32
        %ne3A_492 = arith.cmpi ne, %sign3A_484, %sign3A_491 : i32
        %rem3A_493 = arith.remsi %scan3A_475, %jit3A_476 : i32
        %ne3A_494 = arith.constant 0 : i32
        %ne3A_495 = arith.cmpi ne, %rem3A_493, %ne3A_494 : i32
        %and3A_496 = arith.andi %ne3A_492, %ne3A_495 : i1
        %sub3A_497 = arith.constant 1 : i32
        %sub3A_498 = arith.subi %div3A_477, %sub3A_497 : i32
        %select_n3A_499 = arith.select %and3A_496, %sub3A_498, %div3A_477 : i32
        %jit3A_500 = arith.constant 4 : i32
        %eq3A_501 = arith.constant 0 : i32
        %eq3A_502 = arith.cmpi eq, %jit3A_500, %eq3A_501 : i32
        %jit3A_503 = arith.constant 1 : i32
        %select_n3A_504 = arith.select %eq3A_502, %jit3A_503, %jit3A_500 : i32
        %rem3A_505 = arith.remsi %scan3A_475, %select_n3A_504 : i32
        %ne3A_506 = arith.constant 0 : i32
        %ne3A_507 = arith.cmpi ne, %rem3A_505, %ne3A_506 : i32
        %lt3A_508 = arith.constant 0 : i32
        %lt3A_509 = arith.cmpi slt, %rem3A_505, %lt3A_508 : i32
        %lt3A_510 = arith.constant 0 : i32
        %lt3A_511 = arith.cmpi slt, %select_n3A_504, %lt3A_510 : i32
        %ne3A_512 = arith.xori %lt3A_509, %lt3A_511 : i1
        %and3A_513 = arith.andi %ne3A_512, %ne3A_507 : i1
        %add3A_514 = arith.addi %rem3A_505, %select_n3A_504 : i32
        %select_n3A_515 = arith.select %and3A_513, %add3A_514, %rem3A_505 : i32
        %mul3A_516 = arith.constant 16 : i32
        %mul3A_517 = arith.muli %select_n3A_515, %mul3A_516 : i32
        %get3A_518 = arith.constant 0 : i32
        %get3A_519 = arith.index_cast %get3A_518 : i32 to index
        %get3A_520 = arith.index_cast %select_n3A_499 : i32 to index
        %get3A_521 = arith.index_cast %mul3A_517 : i32 to index
        %get3A_522 = tpu.vector_load %arg6[%get3A_519, %get3A_520, %get3A_521] {strides = array<i32>} : memref<2x400x64xf32, #tpu.memory_space<vmem>>, vector<16xf32>,
        %mul3A_523 = arith.constant 8.000000e+00 : f32
        %mul3A_524 = vector.broadcast %mul3A_523 : f32 to vector<16xf32>
        %mul3A_525 = arith.mulf %get3A_522, %mul3A_524 : vector<16xf32>
        %swap3A_526 = arith.constant 0 : i32
        %swap3A_527 = arith.index_cast %swap3A_526 : i32 to index
        %swap3A_528 = arith.index_cast %select_n3A_499 : i32 to index
        %swap3A_529 = arith.index_cast %mul3A_517 : i32 to index
        %swap3A_530 = tpu.vector_load %arg6[%swap3A_527, %swap3A_528, %swap3A_529] {strides = array<i32>} : memref<2x400x64xf32, #tpu.memory_space<vmem>>, vector<16xf32>,
        tpu.vector_store %arg6[%swap3A_527, %swap3A_528, %swap3A_529], %mul3A_525 {strides = array<i32>} : memref<2x400x64xf32, #tpu.memory_space<vmem>>, vector<16xf32>,
        %scan3A_531 = arith.constant 3 : i32
        %scan3A_532 = arith.addi %scan3A_372, %scan3A_531 : i32
        %jit3A_533 = arith.constant 4 : i32
        %div3A_534 = arith.divsi %scan3A_532, %jit3A_533 : i32
        %sign3A_535 = arith.constant 0 : i32
        %sign3A_536 = arith.cmpi sgt, %scan3A_532, %sign3A_535 : i32
        %sign3A_537 = arith.extui %sign3A_536 : i1 to i32
        %sign3A_538 = arith.constant 0 : i32
        %sign3A_539 = arith.cmpi slt, %scan3A_532, %sign3A_538 : i32
        %sign3A_540 = arith.extui %sign3A_539 : i1 to i32
        %sign3A_541 = arith.subi %sign3A_537, %sign3A_540 : i32
        %sign3A_542 = arith.constant 0 : i32
        %sign3A_543 = arith.cmpi sgt, %jit3A_533, %sign3A_542 : i32
        %sign3A_544 = arith.extui %sign3A_543 : i1 to i32
        %sign3A_545 = arith.constant 0 : i32
        %sign3A_546 = arith.cmpi slt, %jit3A_533, %sign3A_545 : i32
        %sign3A_547 = arith.extui %sign3A_546 : i1 to i32
        %sign3A_548 = arith.subi %sign3A_544, %sign3A_547 : i32
        %ne3A_549 = arith.cmpi ne, %sign3A_541, %sign3A_548 : i32
        %rem3A_550 = arith.remsi %scan3A_532, %jit3A_533 : i32
        %ne3A_551 = arith.constant 0 : i32
        %ne3A_552 = arith.cmpi ne, %rem3A_550, %ne3A_551 : i32
        %and3A_553 = arith.andi %ne3A_549, %ne3A_552 : i1
        %sub3A_554 = arith.constant 1 : i32
        %sub3A_555 = arith.subi %div3A_534, %sub3A_554 : i32
        %select_n3A_556 = arith.select %and3A_553, %sub3A_555, %div3A_534 : i32
        %jit3A_557 = arith.constant 4 : i32
        %eq3A_558 = arith.constant 0 : i32
        %eq3A_559 = arith.cmpi eq, %jit3A_557, %eq3A_558 : i32
        %jit3A_560 = arith.constant 1 : i32
        %select_n3A_561 = arith.select %eq3A_559, %jit3A_560, %jit3A_557 : i32
        %rem3A_562 = arith.remsi %scan3A_532, %select_n3A_561 : i32
        %ne3A_563 = arith.constant 0 : i32
        %ne3A_564 = arith.cmpi ne, %rem3A_562, %ne3A_563 : i32
        %lt3A_565 = arith.constant 0 : i32
        %lt3A_566 = arith.cmpi slt, %rem3A_562, %lt3A_565 : i32
        %lt3A_567 = arith.constant 0 : i32
        %lt3A_568 = arith.cmpi slt, %select_n3A_561, %lt3A_567 : i32
        %ne3A_569 = arith.xori %lt3A_566, %lt3A_568 : i1
        %and3A_570 = arith.andi %ne3A_569, %ne3A_564 : i1
        %add3A_571 = arith.addi %rem3A_562, %select_n3A_561 : i32
        %select_n3A_572 = arith.select %and3A_570, %add3A_571, %rem3A_562 : i32
        %mul3A_573 = arith.constant 16 : i32
        %mul3A_574 = arith.muli %select_n3A_572, %mul3A_573 : i32
        %get3A_575 = arith.constant 0 : i32
        %get3A_576 = arith.index_cast %get3A_575 : i32 to index
        %get3A_577 = arith.index_cast %select_n3A_556 : i32 to index
        %get3A_578 = arith.index_cast %mul3A_574 : i32 to index
        %get3A_579 = tpu.vector_load %arg6[%get3A_576, %get3A_577, %get3A_578] {strides = array<i32>} : memref<2x400x64xf32, #tpu.memory_space<vmem>>, vector<16xf32>,
        %mul3A_580 = arith.constant 8.000000e+00 : f32
        %mul3A_581 = vector.broadcast %mul3A_580 : f32 to vector<16xf32>
        %mul3A_582 = arith.mulf %get3A_579, %mul3A_581 : vector<16xf32>
        %swap3A_583 = arith.constant 0 : i32
        %swap3A_584 = arith.index_cast %swap3A_583 : i32 to index
        %swap3A_585 = arith.index_cast %select_n3A_556 : i32 to index
        %swap3A_586 = arith.index_cast %mul3A_574 : i32 to index
        %swap3A_587 = tpu.vector_load %arg6[%swap3A_584, %swap3A_585, %swap3A_586] {strides = array<i32>} : memref<2x400x64xf32, #tpu.memory_space<vmem>>, vector<16xf32>,
        tpu.vector_store %arg6[%swap3A_584, %swap3A_585, %swap3A_586], %mul3A_582 {strides = array<i32>} : memref<2x400x64xf32, #tpu.memory_space<vmem>>, vector<16xf32>,
        %scan3A_588 = arith.constant 4 : i32
        %scan3A_589 = arith.addi %scan3A_372, %scan3A_588 : i32
        %jit3A_590 = arith.constant 4 : i32
        %div3A_591 = arith.divsi %scan3A_589, %jit3A_590 : i32
        %sign3A_592 = arith.constant 0 : i32
        %sign3A_593 = arith.cmpi sgt, %scan3A_589, %sign3A_592 : i32
        %sign3A_594 = arith.extui %sign3A_593 : i1 to i32
        %sign3A_595 = arith.constant 0 : i32
        %sign3A_596 = arith.cmpi slt, %scan3A_589, %sign3A_595 : i32
        %sign3A_597 = arith.extui %sign3A_596 : i1 to i32
        %sign3A_598 = arith.subi %sign3A_594, %sign3A_597 : i32
        %sign3A_599 = arith.constant 0 : i32
        %sign3A_600 = arith.cmpi sgt, %jit3A_590, %sign3A_599 : i32
        %sign3A_601 = arith.extui %sign3A_600 : i1 to i32
        %sign3A_602 = arith.constant 0 : i32
        %sign3A_603 = arith.cmpi slt, %jit3A_590, %sign3A_602 : i32
        %sign3A_604 = arith.extui %sign3A_603 : i1 to i32
        %sign3A_605 = arith.subi %sign3A_601, %sign3A_604 : i32
        %ne3A_606 = arith.cmpi ne, %sign3A_598, %sign3A_605 : i32
        %rem3A_607 = arith.remsi %scan3A_589, %jit3A_590 : i32
        %ne3A_608 = arith.constant 0 : i32
        %ne3A_609 = arith.cmpi ne, %rem3A_607, %ne3A_608 : i32
        %and3A_610 = arith.andi %ne3A_606, %ne3A_609 : i1
        %sub3A_611 = arith.constant 1 : i32
        %sub3A_612 = arith.subi %div3A_591, %sub3A_611 : i32
        %select_n3A_613 = arith.select %and3A_610, %sub3A_612, %div3A_591 : i32
        %jit3A_614 = arith.constant 4 : i32
        %eq3A_615 = arith.constant 0 : i32
        %eq3A_616 = arith.cmpi eq, %jit3A_614, %eq3A_615 : i32
        %jit3A_617 = arith.constant 1 : i32
        %select_n3A_618 = arith.select %eq3A_616, %jit3A_617, %jit3A_614 : i32
        %rem3A_619 = arith.remsi %scan3A_589, %select_n3A_618 : i32
        %ne3A_620 = arith.constant 0 : i32
        %ne3A_621 = arith.cmpi ne, %rem3A_619, %ne3A_620 : i32
        %lt3A_622 = arith.constant 0 : i32
        %lt3A_623 = arith.cmpi slt, %rem3A_619, %lt3A_622 : i32
        %lt3A_624 = arith.constant 0 : i32
        %lt3A_625 = arith.cmpi slt, %select_n3A_618, %lt3A_624 : i32
        %ne3A_626 = arith.xori %lt3A_623, %lt3A_625 : i1
        %and3A_627 = arith.andi %ne3A_626, %ne3A_621 : i1
        %add3A_628 = arith.addi %rem3A_619, %select_n3A_618 : i32
        %select_n3A_629 = arith.select %and3A_627, %add3A_628, %rem3A_619 : i32
        %mul3A_630 = arith.constant 16 : i32
        %mul3A_631 = arith.muli %select_n3A_629, %mul3A_630 : i32
        %get3A_632 = arith.constant 0 : i32
        %get3A_633 = arith.index_cast %get3A_632 : i32 to index
        %get3A_634 = arith.index_cast %select_n3A_613 : i32 to index
        %get3A_635 = arith.index_cast %mul3A_631 : i32 to index
        %get3A_636 = tpu.vector_load %arg6[%get3A_633, %get3A_634, %get3A_635] {strides = array<i32>} : memref<2x400x64xf32, #tpu.memory_space<vmem>>, vector<16xf32>,
        %mul3A_637 = arith.constant 8.000000e+00 : f32
        %mul3A_638 = vector.broadcast %mul3A_637 : f32 to vector<16xf32>
        %mul3A_639 = arith.mulf %get3A_636, %mul3A_638 : vector<16xf32>
        %swap3A_640 = arith.constant 0 : i32
        %swap3A_641 = arith.index_cast %swap3A_640 : i32 to index
        %swap3A_642 = arith.index_cast %select_n3A_613 : i32 to index
        %swap3A_643 = arith.index_cast %mul3A_631 : i32 to index
        %swap3A_644 = tpu.vector_load %arg6[%swap3A_641, %swap3A_642, %swap3A_643] {strides = array<i32>} : memref<2x400x64xf32, #tpu.memory_space<vmem>>, vector<16xf32>,
        tpu.vector_store %arg6[%swap3A_641, %swap3A_642, %swap3A_643], %mul3A_639 {strides = array<i32>} : memref<2x400x64xf32, #tpu.memory_space<vmem>>, vector<16xf32>,
        %scan3A_645 = arith.constant 5 : i32
        %scan3A_646 = arith.addi %scan3A_372, %scan3A_645 : i32
        %jit3A_647 = arith.constant 4 : i32
        %div3A_648 = arith.divsi %scan3A_646, %jit3A_647 : i32
        %sign3A_649 = arith.constant 0 : i32
        %sign3A_650 = arith.cmpi sgt, %scan3A_646, %sign3A_649 : i32
        %sign3A_651 = arith.extui %sign3A_650 : i1 to i32
        %sign3A_652 = arith.constant 0 : i32
        %sign3A_653 = arith.cmpi slt, %scan3A_646, %sign3A_652 : i32
        %sign3A_654 = arith.extui %sign3A_653 : i1 to i32
        %sign3A_655 = arith.subi %sign3A_651, %sign3A_654 : i32
        %sign3A_656 = arith.constant 0 : i32
        %sign3A_657 = arith.cmpi sgt, %jit3A_647, %sign3A_656 : i32
        %sign3A_658 = arith.extui %sign3A_657 : i1 to i32
        %sign3A_659 = arith.constant 0 : i32
        %sign3A_660 = arith.cmpi slt, %jit3A_647, %sign3A_659 : i32
        %sign3A_661 = arith.extui %sign3A_660 : i1 to i32
        %sign3A_662 = arith.subi %sign3A_658, %sign3A_661 : i32
        %ne3A_663 = arith.cmpi ne, %sign3A_655, %sign3A_662 : i32
        %rem3A_664 = arith.remsi %scan3A_646, %jit3A_647 : i32
        %ne3A_665 = arith.constant 0 : i32
        %ne3A_666 = arith.cmpi ne, %rem3A_664, %ne3A_665 : i32
        %and3A_667 = arith.andi %ne3A_663, %ne3A_666 : i1
        %sub3A_668 = arith.constant 1 : i32
        %sub3A_669 = arith.subi %div3A_648, %sub3A_668 : i32
        %select_n3A_670 = arith.select %and3A_667, %sub3A_669, %div3A_648 : i32
        %jit3A_671 = arith.constant 4 : i32
        %eq3A_672 = arith.constant 0 : i32
        %eq3A_673 = arith.cmpi eq, %jit3A_671, %eq3A_672 : i32
        %jit3A_674 = arith.constant 1 : i32
        %select_n3A_675 = arith.select %eq3A_673, %jit3A_674, %jit3A_671 : i32
        %rem3A_676 = arith.remsi %scan3A_646, %select_n3A_675 : i32
        %ne3A_677 = arith.constant 0 : i32
        %ne3A_678 = arith.cmpi ne, %rem3A_676, %ne3A_677 : i32
        %lt3A_679 = arith.constant 0 : i32
        %lt3A_680 = arith.cmpi slt, %rem3A_676, %lt3A_679 : i32
        %lt3A_681 = arith.constant 0 : i32
        %lt3A_682 = arith.cmpi slt, %select_n3A_675, %lt3A_681 : i32
        %ne3A_683 = arith.xori %lt3A_680, %lt3A_682 : i1
        %and3A_684 = arith.andi %ne3A_683, %ne3A_678 : i1
        %add3A_685 = arith.addi %rem3A_676, %select_n3A_675 : i32
        %select_n3A_686 = arith.select %and3A_684, %add3A_685, %rem3A_676 : i32
        %mul3A_687 = arith.constant 16 : i32
        %mul3A_688 = arith.muli %select_n3A_686, %mul3A_687 : i32
        %get3A_689 = arith.constant 0 : i32
        %get3A_690 = arith.index_cast %get3A_689 : i32 to index
        %get3A_691 = arith.index_cast %select_n3A_670 : i32 to index
        %get3A_692 = arith.index_cast %mul3A_688 : i32 to index
        %get3A_693 = tpu.vector_load %arg6[%get3A_690, %get3A_691, %get3A_692] {strides = array<i32>} : memref<2x400x64xf32, #tpu.memory_space<vmem>>, vector<16xf32>,
        %mul3A_694 = arith.constant 8.000000e+00 : f32
        %mul3A_695 = vector.broadcast %mul3A_694 : f32 to vector<16xf32>
        %mul3A_696 = arith.mulf %get3A_693, %mul3A_695 : vector<16xf32>
        %swap3A_697 = arith.constant 0 : i32
        %swap3A_698 = arith.index_cast %swap3A_697 : i32 to index
        %swap3A_699 = arith.index_cast %select_n3A_670 : i32 to index
        %swap3A_700 = arith.index_cast %mul3A_688 : i32 to index
        %swap3A_701 = tpu.vector_load %arg6[%swap3A_698, %swap3A_699, %swap3A_700] {strides = array<i32>} : memref<2x400x64xf32, #tpu.memory_space<vmem>>, vector<16xf32>,
        tpu.vector_store %arg6[%swap3A_698, %swap3A_699, %swap3A_700], %mul3A_696 {strides = array<i32>} : memref<2x400x64xf32, #tpu.memory_space<vmem>>, vector<16xf32>,
        %scan3A_702 = arith.constant 6 : i32
        %scan3A_703 = arith.addi %scan3A_372, %scan3A_702 : i32
        %jit3A_704 = arith.constant 4 : i32
        %div3A_705 = arith.divsi %scan3A_703, %jit3A_704 : i32
        %sign3A_706 = arith.constant 0 : i32
        %sign3A_707 = arith.cmpi sgt, %scan3A_703, %sign3A_706 : i32
        %sign3A_708 = arith.extui %sign3A_707 : i1 to i32
        %sign3A_709 = arith.constant 0 : i32
        %sign3A_710 = arith.cmpi slt, %scan3A_703, %sign3A_709 : i32
        %sign3A_711 = arith.extui %sign3A_710 : i1 to i32
        %sign3A_712 = arith.subi %sign3A_708, %sign3A_711 : i32
        %sign3A_713 = arith.constant 0 : i32
        %sign3A_714 = arith.cmpi sgt, %jit3A_704, %sign3A_713 : i32
        %sign3A_715 = arith.extui %sign3A_714 : i1 to i32
        %sign3A_716 = arith.constant 0 : i32
        %sign3A_717 = arith.cmpi slt, %jit3A_704, %sign3A_716 : i32
        %sign3A_718 = arith.extui %sign3A_717 : i1 to i32
        %sign3A_719 = arith.subi %sign3A_715, %sign3A_718 : i32
        %ne3A_720 = arith.cmpi ne, %sign3A_712, %sign3A_719 : i32
        %rem3A_721 = arith.remsi %scan3A_703, %jit3A_704 : i32
        %ne3A_722 = arith.constant 0 : i32
        %ne3A_723 = arith.cmpi ne, %rem3A_721, %ne3A_722 : i32
        %and3A_724 = arith.andi %ne3A_720, %ne3A_723 : i1
        %sub3A_725 = arith.constant 1 : i32
        %sub3A_726 = arith.subi %div3A_705, %sub3A_725 : i32
        %select_n3A_727 = arith.select %and3A_724, %sub3A_726, %div3A_705 : i32
        %jit3A_728 = arith.constant 4 : i32
        %eq3A_729 = arith.constant 0 : i32
        %eq3A_730 = arith.cmpi eq, %jit3A_728, %eq3A_729 : i32
        %jit3A_731 = arith.constant 1 : i32
        %select_n3A_732 = arith.select %eq3A_730, %jit3A_731, %jit3A_728 : i32
        %rem3A_733 = arith.remsi %scan3A_703, %select_n3A_732 : i32
        %ne3A_734 = arith.constant 0 : i32
        %ne3A_735 = arith.cmpi ne, %rem3A_733, %ne3A_734 : i32
        %lt3A_736 = arith.constant 0 : i32
        %lt3A_737 = arith.cmpi slt, %rem3A_733, %lt3A_736 : i32
        %lt3A_738 = arith.constant 0 : i32
        %lt3A_739 = arith.cmpi slt, %select_n3A_732, %lt3A_738 : i32
        %ne3A_740 = arith.xori %lt3A_737, %lt3A_739 : i1
        %and3A_741 = arith.andi %ne3A_740, %ne3A_735 : i1
        %add3A_742 = arith.addi %rem3A_733, %select_n3A_732 : i32
        %select_n3A_743 = arith.select %and3A_741, %add3A_742, %rem3A_733 : i32
        %mul3A_744 = arith.constant 16 : i32
        %mul3A_745 = arith.muli %select_n3A_743, %mul3A_744 : i32
        %get3A_746 = arith.constant 0 : i32
        %get3A_747 = arith.index_cast %get3A_746 : i32 to index
        %get3A_748 = arith.index_cast %select_n3A_727 : i32 to index
        %get3A_749 = arith.index_cast %mul3A_745 : i32 to index
        %get3A_750 = tpu.vector_load %arg6[%get3A_747, %get3A_748, %get3A_749] {strides = array<i32>} : memref<2x400x64xf32, #tpu.memory_space<vmem>>, vector<16xf32>,
        %mul3A_751 = arith.constant 8.000000e+00 : f32
        %mul3A_752 = vector.broadcast %mul3A_751 : f32 to vector<16xf32>
        %mul3A_753 = arith.mulf %get3A_750, %mul3A_752 : vector<16xf32>
        %swap3A_754 = arith.constant 0 : i32
        %swap3A_755 = arith.index_cast %swap3A_754 : i32 to index
        %swap3A_756 = arith.index_cast %select_n3A_727 : i32 to index
        %swap3A_757 = arith.index_cast %mul3A_745 : i32 to index
        %swap3A_758 = tpu.vector_load %arg6[%swap3A_755, %swap3A_756, %swap3A_757] {strides = array<i32>} : memref<2x400x64xf32, #tpu.memory_space<vmem>>, vector<16xf32>,
        tpu.vector_store %arg6[%swap3A_755, %swap3A_756, %swap3A_757], %mul3A_753 {strides = array<i32>} : memref<2x400x64xf32, #tpu.memory_space<vmem>>, vector<16xf32>,
        %scan3A_759 = arith.constant 7 : i32
        %scan3A_760 = arith.addi %scan3A_372, %scan3A_759 : i32
        %jit3A_761 = arith.constant 4 : i32
        %div3A_762 = arith.divsi %scan3A_760, %jit3A_761 : i32
        %sign3A_763 = arith.constant 0 : i32
        %sign3A_764 = arith.cmpi sgt, %scan3A_760, %sign3A_763 : i32
        %sign3A_765 = arith.extui %sign3A_764 : i1 to i32
        %sign3A_766 = arith.constant 0 : i32
        %sign3A_767 = arith.cmpi slt, %scan3A_760, %sign3A_766 : i32
        %sign3A_768 = arith.extui %sign3A_767 : i1 to i32
        %sign3A_769 = arith.subi %sign3A_765, %sign3A_768 : i32
        %sign3A_770 = arith.constant 0 : i32
        %sign3A_771 = arith.cmpi sgt, %jit3A_761, %sign3A_770 : i32
        %sign3A_772 = arith.extui %sign3A_771 : i1 to i32
        %sign3A_773 = arith.constant 0 : i32
        %sign3A_774 = arith.cmpi slt, %jit3A_761, %sign3A_773 : i32
        %sign3A_775 = arith.extui %sign3A_774 : i1 to i32
        %sign3A_776 = arith.subi %sign3A_772, %sign3A_775 : i32
        %ne3A_777 = arith.cmpi ne, %sign3A_769, %sign3A_776 : i32
        %rem3A_778 = arith.remsi %scan3A_760, %jit3A_761 : i32
        %ne3A_779 = arith.constant 0 : i32
        %ne3A_780 = arith.cmpi ne, %rem3A_778, %ne3A_779 : i32
        %and3A_781 = arith.andi %ne3A_777, %ne3A_780 : i1
        %sub3A_782 = arith.constant 1 : i32
        %sub3A_783 = arith.subi %div3A_762, %sub3A_782 : i32
        %select_n3A_784 = arith.select %and3A_781, %sub3A_783, %div3A_762 : i32
        %jit3A_785 = arith.constant 4 : i32
        %eq3A_786 = arith.constant 0 : i32
        %eq3A_787 = arith.cmpi eq, %jit3A_785, %eq3A_786 : i32
        %jit3A_788 = arith.constant 1 : i32
        %select_n3A_789 = arith.select %eq3A_787, %jit3A_788, %jit3A_785 : i32
        %rem3A_790 = arith.remsi %scan3A_760, %select_n3A_789 : i32
        %ne3A_791 = arith.constant 0 : i32
        %ne3A_792 = arith.cmpi ne, %rem3A_790, %ne3A_791 : i32
        %lt3A_793 = arith.constant 0 : i32
        %lt3A_794 = arith.cmpi slt, %rem3A_790, %lt3A_793 : i32
        %lt3A_795 = arith.constant 0 : i32
        %lt3A_796 = arith.cmpi slt, %select_n3A_789, %lt3A_795 : i32
        %ne3A_797 = arith.xori %lt3A_794, %lt3A_796 : i1
        %and3A_798 = arith.andi %ne3A_797, %ne3A_792 : i1
        %add3A_799 = arith.addi %rem3A_790, %select_n3A_789 : i32
        %select_n3A_800 = arith.select %and3A_798, %add3A_799, %rem3A_790 : i32
        %mul3A_801 = arith.constant 16 : i32
        %mul3A_802 = arith.muli %select_n3A_800, %mul3A_801 : i32
        %get3A_803 = arith.constant 0 : i32
        %get3A_804 = arith.index_cast %get3A_803 : i32 to index
        %get3A_805 = arith.index_cast %select_n3A_784 : i32 to index
        %get3A_806 = arith.index_cast %mul3A_802 : i32 to index
        %get3A_807 = tpu.vector_load %arg6[%get3A_804, %get3A_805, %get3A_806] {strides = array<i32>} : memref<2x400x64xf32, #tpu.memory_space<vmem>>, vector<16xf32>,
        %mul3A_808 = arith.constant 8.000000e+00 : f32
        %mul3A_809 = vector.broadcast %mul3A_808 : f32 to vector<16xf32>
        %mul3A_810 = arith.mulf %get3A_807, %mul3A_809 : vector<16xf32>
        %swap3A_811 = arith.constant 0 : i32
        %swap3A_812 = arith.index_cast %swap3A_811 : i32 to index
        %swap3A_813 = arith.index_cast %select_n3A_784 : i32 to index
        %swap3A_814 = arith.index_cast %mul3A_802 : i32 to index
        %swap3A_815 = tpu.vector_load %arg6[%swap3A_812, %swap3A_813, %swap3A_814] {strides = array<i32>} : memref<2x400x64xf32, #tpu.memory_space<vmem>>, vector<16xf32>,
        tpu.vector_store %arg6[%swap3A_812, %swap3A_813, %swap3A_814], %mul3A_810 {strides = array<i32>} : memref<2x400x64xf32, #tpu.memory_space<vmem>>, vector<16xf32>,
      }
      %scan3A_245 = arith.constant 1600 : i32
      %add3A_246 = arith.addi %mul3A_2, %add3A_168 : i32
      %dma_start3A_247 = arith.constant 0 : i32
      %dma_start3A_248 = arith.constant 0 : i32
      %dma_start3A_249 = arith.constant 0 : i32
      %dma_start3A_250 = arith.constant 0 : i32
      %dma_start3A_251 = tpu.memref_slice %arg6[%dma_start3A_247, %dma_start3A_249, %dma_start3A_250] : memref<2x400x64xf32, #tpu.memory_space<vmem>> -> memref<1x400x64xf32, #tpu.memory_space<vmem>>
      %dma_start3A_252 = tpu.memref_squeeze %dma_start3A_251 : memref<1x400x64xf32, #tpu.memory_space<vmem>> -> memref<400x64xf32, #tpu.memory_space<vmem>>
      %dma_start3A_253 = arith.constant 0 : i32
      %dma_start3A_254 = arith.constant 0 : i32
      %dma_start3A_255 = tpu.memref_slice %arg4[%add3A_246, %dma_start3A_253, %dma_start3A_254] : memref<2048x400x64xf32, #tpu.memory_space<hbm>> -> memref<1x400x64xf32, #tpu.memory_space<hbm>>
      %dma_start3A_256 = tpu.memref_squeeze %dma_start3A_255 : memref<1x400x64xf32, #tpu.memory_space<hbm>> -> memref<400x64xf32, #tpu.memory_space<hbm>>
      %dma_start3A_257 = tpu.memref_slice %arg9[%dma_start3A_248] : memref<2x!tpu.dma_semaphore, #tpu.memory_space<semaphore_mem>> -> memref<1x!tpu.dma_semaphore, #tpu.memory_space<semaphore_mem>>
      %dma_start3A_258 = tpu.memref_squeeze %dma_start3A_257 : memref<1x!tpu.dma_semaphore, #tpu.memory_space<semaphore_mem>> -> memref<!tpu.dma_semaphore, #tpu.memory_space<semaphore_mem>>
      %dma_start3A_259 = arith.constant 0 : i32
      %dma_start3A_260 = arith.constant 0 : i32
      %dma_start3A_261 = tpu.memref_slice %arg4[%add3A_246, %dma_start3A_259, %dma_start3A_260] : memref<2048x400x64xf32, #tpu.memory_space<hbm>> -> memref<1x400x64xf32, #tpu.memory_space<hbm>>
      %dma_start3A_262 = tpu.memref_squeeze %dma_start3A_261 : memref<1x400x64xf32, #tpu.memory_space<hbm>> -> memref<400x64xf32, #tpu.memory_space<hbm>>
      %dma_start3A_263 = arith.constant 0 : i32
      %dma_start3A_264 = arith.constant 0 : i32
      %dma_start3A_265 = tpu.memref_slice %arg6[%dma_start3A_247, %dma_start3A_263, %dma_start3A_264] : memref<2x400x64xf32, #tpu.memory_space<vmem>> -> memref<1x400x64xf32, #tpu.memory_space<vmem>>
      %dma_start3A_266 = tpu.memref_squeeze %dma_start3A_265 : memref<1x400x64xf32, #tpu.memory_space<vmem>> -> memref<400x64xf32, #tpu.memory_space<vmem>>
      tpu.enqueue_dma source(%dma_start3A_266 : memref<400x64xf32, #tpu.memory_space<vmem>>) target(%dma_start3A_262 : memref<400x64xf32, #tpu.memory_space<hbm>>) target_semaphore(%dma_start3A_258 : memref<!tpu.dma_semaphore, #tpu.memory_space<semaphore_mem>>)
      %mul3A_267 = arith.constant 2 : i32
      %mul3A_268 = arith.muli %scan3A_164, %mul3A_267 : i32
      %add3A_269 = arith.constant 1 : i32
      %add3A_270 = arith.addi %mul3A_268, %add3A_269 : i32
      %add3A_271 = arith.constant 1 : i32
      %add3A_272 = arith.addi %add3A_270, %add3A_271 : i32
      %lt3A_273 = arith.constant 64 : i32
      %lt3A_274 = arith.cmpi slt, %add3A_272, %lt3A_273 : i32
      %convert_element_type3A_275 = arith.extui %lt3A_274 : i1 to i32
      %cond3A_276 = arith.constant 0 : i32
      %cond3A_277 = arith.cmpi ne, %convert_element_type3A_275, %cond3A_276 : i32
      scf.if %cond3A_277 {
        %add3A_372 = arith.constant 1 : i32
        %add3A_373 = arith.addi %add3A_270, %add3A_372 : i32
        %add3A_374 = arith.addi %mul3A_2, %add3A_373 : i32
        %dma_wait3A_375 = arith.constant 0 : i32
        %dma_wait3A_376 = arith.constant 0 : i32
        %dma_wait3A_377 = arith.constant 0 : i32
        %dma_wait3A_378 = tpu.memref_slice %arg5[%dma_wait3A_375, %dma_wait3A_377] : memref<2x400xi32, #tpu.memory_space<vmem>> -> memref<1x400xi32, #tpu.memory_space<vmem>>
        %dma_wait3A_379 = tpu.memref_squeeze %dma_wait3A_378 : memref<1x400xi32, #tpu.memory_space<vmem>> -> memref<400xi32, #tpu.memory_space<vmem>>
        %dma_wait3A_380 = arith.constant 0 : i32
        %dma_wait3A_381 = tpu.memref_slice %arg2[%add3A_374, %dma_wait3A_380] : memref<2048x400xi32, #tpu.memory_space<hbm>> -> memref<1x400xi32, #tpu.memory_space<hbm>>
        %dma_wait3A_382 = tpu.memref_squeeze %dma_wait3A_381 : memref<1x400xi32, #tpu.memory_space<hbm>> -> memref<400xi32, #tpu.memory_space<hbm>>
        %dma_wait3A_383 = tpu.memref_slice %arg7[%dma_wait3A_376] : memref<2x!tpu.dma_semaphore, #tpu.memory_space<semaphore_mem>> -> memref<1x!tpu.dma_semaphore, #tpu.memory_space<semaphore_mem>>
        %dma_wait3A_384 = tpu.memref_squeeze %dma_wait3A_383 : memref<1x!tpu.dma_semaphore, #tpu.memory_space<semaphore_mem>> -> memref<!tpu.dma_semaphore, #tpu.memory_space<semaphore_mem>>
        %dma_wait3A_385 = arith.constant 0 : i32
        %dma_wait3A_386 = tpu.memref_slice %arg5[%dma_wait3A_375, %dma_wait3A_385] : memref<2x400xi32, #tpu.memory_space<vmem>> -> memref<1x400xi32, #tpu.memory_space<vmem>>
        %dma_wait3A_387 = tpu.memref_squeeze %dma_wait3A_386 : memref<1x400xi32, #tpu.memory_space<vmem>> -> memref<400xi32, #tpu.memory_space<vmem>>
        %dma_wait3A_388 = arith.constant 0 : i32
        %dma_wait3A_389 = tpu.memref_slice %arg2[%add3A_374, %dma_wait3A_388] : memref<2048x400xi32, #tpu.memory_space<hbm>> -> memref<1x400xi32, #tpu.memory_space<hbm>>
        %dma_wait3A_390 = tpu.memref_squeeze %dma_wait3A_389 : memref<1x400xi32, #tpu.memory_space<hbm>> -> memref<400xi32, #tpu.memory_space<hbm>>
        tpu.wait_dma2 semaphore(%dma_wait3A_384 : memref<!tpu.dma_semaphore, #tpu.memory_space<semaphore_mem>>) src(%dma_wait3A_390 : memref<400xi32, #tpu.memory_space<hbm>>) dst(%dma_wait3A_387 : memref<400xi32, #tpu.memory_space<vmem>>)
        %ge3A = arith.constant 1 : i32
        %ge3A_391 = arith.cmpi sge, %add3A_270, %ge3A : i32
        %convert_element_type3A_392 = arith.extui %ge3A_391 : i1 to i32
        %cond3A_393 = arith.constant 0 : i32
        %cond3A_394 = arith.cmpi ne, %convert_element_type3A_392, %cond3A_393 : i32
        scf.if %cond3A_394 {
          %sub3A = arith.constant 1 : i32
          %sub3A_457 = arith.subi %add3A_270, %sub3A : i32
          %add3A_458 = arith.addi %mul3A_2, %sub3A_457 : i32
          %dma_wait3A_459 = arith.constant 0 : i32
          %dma_wait3A_460 = arith.constant 0 : i32
          %dma_wait3A_461 = arith.constant 0 : i32
          %dma_wait3A_462 = arith.constant 0 : i32
          %dma_wait3A_463 = tpu.memref_slice %arg6[%dma_wait3A_459, %dma_wait3A_461, %dma_wait3A_462] : memref<2x400x64xf32, #tpu.memory_space<vmem>> -> memref<1x400x64xf32, #tpu.memory_space<vmem>>
          %dma_wait3A_464 = tpu.memref_squeeze %dma_wait3A_463 : memref<1x400x64xf32, #tpu.memory_space<vmem>> -> memref<400x64xf32, #tpu.memory_space<vmem>>
          %dma_wait3A_465 = arith.constant 0 : i32
          %dma_wait3A_466 = arith.constant 0 : i32
          %dma_wait3A_467 = tpu.memref_slice %arg4[%add3A_458, %dma_wait3A_465, %dma_wait3A_466] : memref<2048x400x64xf32, #tpu.memory_space<hbm>> -> memref<1x400x64xf32, #tpu.memory_space<hbm>>
          %dma_wait3A_468 = tpu.memref_squeeze %dma_wait3A_467 : memref<1x400x64xf32, #tpu.memory_space<hbm>> -> memref<400x64xf32, #tpu.memory_space<hbm>>
          %dma_wait3A_469 = tpu.memref_slice %arg9[%dma_wait3A_460] : memref<2x!tpu.dma_semaphore, #tpu.memory_space<semaphore_mem>> -> memref<1x!tpu.dma_semaphore, #tpu.memory_space<semaphore_mem>>
          %dma_wait3A_470 = tpu.memref_squeeze %dma_wait3A_469 : memref<1x!tpu.dma_semaphore, #tpu.memory_space<semaphore_mem>> -> memref<!tpu.dma_semaphore, #tpu.memory_space<semaphore_mem>>
          %dma_wait3A_471 = arith.constant 0 : i32
          %dma_wait3A_472 = arith.constant 0 : i32
          %dma_wait3A_473 = tpu.memref_slice %arg4[%add3A_458, %dma_wait3A_471, %dma_wait3A_472] : memref<2048x400x64xf32, #tpu.memory_space<hbm>> -> memref<1x400x64xf32, #tpu.memory_space<hbm>>
          %dma_wait3A_474 = tpu.memref_squeeze %dma_wait3A_473 : memref<1x400x64xf32, #tpu.memory_space<hbm>> -> memref<400x64xf32, #tpu.memory_space<hbm>>
          %dma_wait3A_475 = arith.constant 0 : i32
          %dma_wait3A_476 = arith.constant 0 : i32
          %dma_wait3A_477 = tpu.memref_slice %arg6[%dma_wait3A_459, %dma_wait3A_475, %dma_wait3A_476] : memref<2x400x64xf32, #tpu.memory_space<vmem>> -> memref<1x400x64xf32, #tpu.memory_space<vmem>>
          %dma_wait3A_478 = tpu.memref_squeeze %dma_wait3A_477 : memref<1x400x64xf32, #tpu.memory_space<vmem>> -> memref<400x64xf32, #tpu.memory_space<vmem>>
          tpu.wait_dma2 semaphore(%dma_wait3A_470 : memref<!tpu.dma_semaphore, #tpu.memory_space<semaphore_mem>>) src(%dma_wait3A_478 : memref<400x64xf32, #tpu.memory_space<vmem>>) dst(%dma_wait3A_474 : memref<400x64xf32, #tpu.memory_space<hbm>>)
        } else {
        }
        %add3A_395 = arith.constant 1 : i32
        %add3A_396 = arith.addi %add3A_270, %add3A_395 : i32
        %dma_start3A_397 = arith.constant 0 : i32
        %dma_start3A_398 = arith.constant 0 : i32
        %dma_start3A_399 = arith.constant 0 : i32
        %dma_start3A_400 = arith.constant 0 : i32
        %dma_start3A_401 = arith.constant 0 : i32
        %dma_start3A_402 = tpu.memref_slice %arg6[%dma_start3A_398, %dma_start3A_400, %dma_start3A_401] : memref<2x400x64xf32, #tpu.memory_space<vmem>> -> memref<1x128x64xf32, #tpu.memory_space<vmem>>
        %dma_start3A_403 = tpu.memref_squeeze %dma_start3A_402 : memref<1x128x64xf32, #tpu.memory_space<vmem>> -> memref<128x64xf32, #tpu.memory_space<vmem>>
        %dma_start3A_404 = arith.constant 0 : i32
        %dma_start3A_405 = tpu.memref_slice %arg5[%dma_start3A_397, %dma_start3A_404] : memref<2x400xi32, #tpu.memory_space<vmem>> -> memref<1x128xi32, #tpu.memory_space<vmem>>
        %dma_start3A_406 = tpu.memref_squeeze %dma_start3A_405 : memref<1x128xi32, #tpu.memory_space<vmem>> -> memref<128xi32, #tpu.memory_space<vmem>>
        %dma_start3A_407 = arith.constant 0 : i32
        %dma_start3A_408 = arith.constant 0 : i32
        %dma_start3A_409 = tpu.memref_slice %arg3[%dma_start3A_407, %dma_start3A_408] : memref<1000000x64xf32, #tpu.memory_space<hbm>> -> memref<1000000x64xf32, #tpu.memory_space<hbm>>
        %dma_start3A_410 = tpu.memref_slice %arg8[%dma_start3A_399] : memref<2x!tpu.dma_semaphore, #tpu.memory_space<semaphore_mem>> -> memref<1x!tpu.dma_semaphore, #tpu.memory_space<semaphore_mem>>
        %dma_start3A_411 = tpu.memref_squeeze %dma_start3A_410 : memref<1x!tpu.dma_semaphore, #tpu.memory_space<semaphore_mem>> -> memref<!tpu.dma_semaphore, #tpu.memory_space<semaphore_mem>>
        tpu.enqueue_indirect_dma source(%dma_start3A_409 : memref<1000000x64xf32, #tpu.memory_space<hbm>>) target(%dma_start3A_403 : memref<128x64xf32, #tpu.memory_space<vmem>>) offsets(%dma_start3A_406 : memref<128xi32, #tpu.memory_space<vmem>>) semaphore(%dma_start3A_411 : memref<!tpu.dma_semaphore, #tpu.memory_space<semaphore_mem>>)
        %dma_start3A_412 = arith.constant 0 : i32
        %dma_start3A_413 = arith.constant 0 : i32
        %dma_start3A_414 = arith.constant 0 : i32
        %dma_start3A_415 = arith.constant 128 : i32
        %dma_start3A_416 = arith.constant 0 : i32
        %dma_start3A_417 = tpu.memref_slice %arg6[%dma_start3A_413, %dma_start3A_415, %dma_start3A_416] : memref<2x400x64xf32, #tpu.memory_space<vmem>> -> memref<1x128x64xf32, #tpu.memory_space<vmem>>
        %dma_start3A_418 = tpu.memref_squeeze %dma_start3A_417 : memref<1x128x64xf32, #tpu.memory_space<vmem>> -> memref<128x64xf32, #tpu.memory_space<vmem>>
        %dma_start3A_419 = arith.constant 128 : i32
        %dma_start3A_420 = tpu.memref_slice %arg5[%dma_start3A_412, %dma_start3A_419] : memref<2x400xi32, #tpu.memory_space<vmem>> -> memref<1x128xi32, #tpu.memory_space<vmem>>
        %dma_start3A_421 = tpu.memref_squeeze %dma_start3A_420 : memref<1x128xi32, #tpu.memory_space<vmem>> -> memref<128xi32, #tpu.memory_space<vmem>>
        %dma_start3A_422 = arith.constant 0 : i32
        %dma_start3A_423 = arith.constant 0 : i32
        %dma_start3A_424 = tpu.memref_slice %arg3[%dma_start3A_422, %dma_start3A_423] : memref<1000000x64xf32, #tpu.memory_space<hbm>> -> memref<1000000x64xf32, #tpu.memory_space<hbm>>
        %dma_start3A_425 = tpu.memref_slice %arg8[%dma_start3A_414] : memref<2x!tpu.dma_semaphore, #tpu.memory_space<semaphore_mem>> -> memref<1x!tpu.dma_semaphore, #tpu.memory_space<semaphore_mem>>
        %dma_start3A_426 = tpu.memref_squeeze %dma_start3A_425 : memref<1x!tpu.dma_semaphore, #tpu.memory_space<semaphore_mem>> -> memref<!tpu.dma_semaphore, #tpu.memory_space<semaphore_mem>>
        tpu.enqueue_indirect_dma source(%dma_start3A_424 : memref<1000000x64xf32, #tpu.memory_space<hbm>>) target(%dma_start3A_418 : memref<128x64xf32, #tpu.memory_space<vmem>>) offsets(%dma_start3A_421 : memref<128xi32, #tpu.memory_space<vmem>>) semaphore(%dma_start3A_426 : memref<!tpu.dma_semaphore, #tpu.memory_space<semaphore_mem>>)
        %dma_start3A_427 = arith.constant 0 : i32
        %dma_start3A_428 = arith.constant 0 : i32
        %dma_start3A_429 = arith.constant 0 : i32
        %dma_start3A_430 = arith.constant 256 : i32
        %dma_start3A_431 = arith.constant 0 : i32
        %dma_start3A_432 = tpu.memref_slice %arg6[%dma_start3A_428, %dma_start3A_430, %dma_start3A_431] : memref<2x400x64xf32, #tpu.memory_space<vmem>> -> memref<1x128x64xf32, #tpu.memory_space<vmem>>
        %dma_start3A_433 = tpu.memref_squeeze %dma_start3A_432 : memref<1x128x64xf32, #tpu.memory_space<vmem>> -> memref<128x64xf32, #tpu.memory_space<vmem>>
        %dma_start3A_434 = arith.constant 256 : i32
        %dma_start3A_435 = tpu.memref_slice %arg5[%dma_start3A_427, %dma_start3A_434] : memref<2x400xi32, #tpu.memory_space<vmem>> -> memref<1x128xi32, #tpu.memory_space<vmem>>
        %dma_start3A_436 = tpu.memref_squeeze %dma_start3A_435 : memref<1x128xi32, #tpu.memory_space<vmem>> -> memref<128xi32, #tpu.memory_space<vmem>>
        %dma_start3A_437 = arith.constant 0 : i32
        %dma_start3A_438 = arith.constant 0 : i32
        %dma_start3A_439 = tpu.memref_slice %arg3[%dma_start3A_437, %dma_start3A_438] : memref<1000000x64xf32, #tpu.memory_space<hbm>> -> memref<1000000x64xf32, #tpu.memory_space<hbm>>
        %dma_start3A_440 = tpu.memref_slice %arg8[%dma_start3A_429] : memref<2x!tpu.dma_semaphore, #tpu.memory_space<semaphore_mem>> -> memref<1x!tpu.dma_semaphore, #tpu.memory_space<semaphore_mem>>
        %dma_start3A_441 = tpu.memref_squeeze %dma_start3A_440 : memref<1x!tpu.dma_semaphore, #tpu.memory_space<semaphore_mem>> -> memref<!tpu.dma_semaphore, #tpu.memory_space<semaphore_mem>>
        tpu.enqueue_indirect_dma source(%dma_start3A_439 : memref<1000000x64xf32, #tpu.memory_space<hbm>>) target(%dma_start3A_433 : memref<128x64xf32, #tpu.memory_space<vmem>>) offsets(%dma_start3A_436 : memref<128xi32, #tpu.memory_space<vmem>>) semaphore(%dma_start3A_441 : memref<!tpu.dma_semaphore, #tpu.memory_space<semaphore_mem>>)
        %dma_start3A_442 = arith.constant 0 : i32
        %dma_start3A_443 = arith.constant 0 : i32
        %dma_start3A_444 = arith.constant 0 : i32
        %dma_start3A_445 = arith.constant 384 : i32
        %dma_start3A_446 = arith.constant 0 : i32
        %dma_start3A_447 = tpu.memref_slice %arg6[%dma_start3A_443, %dma_start3A_445, %dma_start3A_446] : memref<2x400x64xf32, #tpu.memory_space<vmem>> -> memref<1x16x64xf32, #tpu.memory_space<vmem>>
        %dma_start3A_448 = tpu.memref_squeeze %dma_start3A_447 : memref<1x16x64xf32, #tpu.memory_space<vmem>> -> memref<16x64xf32, #tpu.memory_space<vmem>>
        %dma_start3A_449 = arith.constant 384 : i32
        %dma_start3A_450 = tpu.memref_slice %arg5[%dma_start3A_442, %dma_start3A_449] : memref<2x400xi32, #tpu.memory_space<vmem>> -> memref<1x16xi32, #tpu.memory_space<vmem>>
        %dma_start3A_451 = tpu.memref_squeeze %dma_start3A_450 : memref<1x16xi32, #tpu.memory_space<vmem>> -> memref<16xi32, #tpu.memory_space<vmem>>
        %dma_start3A_452 = arith.constant 0 : i32
        %dma_start3A_453 = arith.constant 0 : i32
        %dma_start3A_454 = tpu.memref_slice %arg3[%dma_start3A_452, %dma_start3A_453] : memref<1000000x64xf32, #tpu.memory_space<hbm>> -> memref<1000000x64xf32, #tpu.memory_space<hbm>>
        %dma_start3A_455 = tpu.memref_slice %arg8[%dma_start3A_444] : memref<2x!tpu.dma_semaphore, #tpu.memory_space<semaphore_mem>> -> memref<1x!tpu.dma_semaphore, #tpu.memory_space<semaphore_mem>>
        %dma_start3A_456 = tpu.memref_squeeze %dma_start3A_455 : memref<1x!tpu.dma_semaphore, #tpu.memory_space<semaphore_mem>> -> memref<!tpu.dma_semaphore, #tpu.memory_space<semaphore_mem>>
        tpu.enqueue_indirect_dma source(%dma_start3A_454 : memref<1000000x64xf32, #tpu.memory_space<hbm>>) target(%dma_start3A_448 : memref<16x64xf32, #tpu.memory_space<vmem>>) offsets(%dma_start3A_451 : memref<16xi32, #tpu.memory_space<vmem>>) semaphore(%dma_start3A_456 : memref<!tpu.dma_semaphore, #tpu.memory_space<semaphore_mem>>)
      } else {
      }
      %dma_wait3A_278 = arith.constant 1 : i32
      %dma_wait3A_279 = arith.constant 1 : i32
      %dma_wait3A_280 = arith.constant 1 : i32
      %dma_wait3A_281 = arith.constant 0 : i32
      %dma_wait3A_282 = arith.constant 0 : i32
      %dma_wait3A_283 = tpu.memref_slice %arg6[%dma_wait3A_279, %dma_wait3A_281, %dma_wait3A_282] : memref<2x400x64xf32, #tpu.memory_space<vmem>> -> memref<1x128x64xf32, #tpu.memory_space<vmem>>
      %dma_wait3A_284 = tpu.memref_squeeze %dma_wait3A_283 : memref<1x128x64xf32, #tpu.memory_space<vmem>> -> memref<128x64xf32, #tpu.memory_space<vmem>>
      %dma_wait3A_285 = arith.constant 0 : i32
      %dma_wait3A_286 = tpu.memref_slice %arg5[%dma_wait3A_278, %dma_wait3A_285] : memref<2x400xi32, #tpu.memory_space<vmem>> -> memref<1x128xi32, #tpu.memory_space<vmem>>
      %dma_wait3A_287 = tpu.memref_squeeze %dma_wait3A_286 : memref<1x128xi32, #tpu.memory_space<vmem>> -> memref<128xi32, #tpu.memory_space<vmem>>
      %dma_wait3A_288 = arith.constant 0 : i32
      %dma_wait3A_289 = arith.constant 0 : i32
      %dma_wait3A_290 = tpu.memref_slice %arg3[%dma_wait3A_288, %dma_wait3A_289] : memref<1000000x64xf32, #tpu.memory_space<hbm>> -> memref<1000000x64xf32, #tpu.memory_space<hbm>>
      %dma_wait3A_291 = tpu.memref_slice %arg8[%dma_wait3A_280] : memref<2x!tpu.dma_semaphore, #tpu.memory_space<semaphore_mem>> -> memref<1x!tpu.dma_semaphore, #tpu.memory_space<semaphore_mem>>
      %dma_wait3A_292 = tpu.memref_squeeze %dma_wait3A_291 : memref<1x!tpu.dma_semaphore, #tpu.memory_space<semaphore_mem>> -> memref<!tpu.dma_semaphore, #tpu.memory_space<semaphore_mem>>
      tpu.wait_indirect_dma semaphore(%dma_wait3A_292 : memref<!tpu.dma_semaphore, #tpu.memory_space<semaphore_mem>>) src(%dma_wait3A_290 : memref<1000000x64xf32, #tpu.memory_space<hbm>>) dst(%dma_wait3A_284 : memref<128x64xf32, #tpu.memory_space<vmem>>)
      %dma_wait3A_293 = arith.constant 1 : i32
      %dma_wait3A_294 = arith.constant 1 : i32
      %dma_wait3A_295 = arith.constant 1 : i32
      %dma_wait3A_296 = arith.constant 128 : i32
      %dma_wait3A_297 = arith.constant 0 : i32
      %dma_wait3A_298 = tpu.memref_slice %arg6[%dma_wait3A_294, %dma_wait3A_296, %dma_wait3A_297] : memref<2x400x64xf32, #tpu.memory_space<vmem>> -> memref<1x128x64xf32, #tpu.memory_space<vmem>>
      %dma_wait3A_299 = tpu.memref_squeeze %dma_wait3A_298 : memref<1x128x64xf32, #tpu.memory_space<vmem>> -> memref<128x64xf32, #tpu.memory_space<vmem>>
      %dma_wait3A_300 = arith.constant 128 : i32
      %dma_wait3A_301 = tpu.memref_slice %arg5[%dma_wait3A_293, %dma_wait3A_300] : memref<2x400xi32, #tpu.memory_space<vmem>> -> memref<1x128xi32, #tpu.memory_space<vmem>>
      %dma_wait3A_302 = tpu.memref_squeeze %dma_wait3A_301 : memref<1x128xi32, #tpu.memory_space<vmem>> -> memref<128xi32, #tpu.memory_space<vmem>>
      %dma_wait3A_303 = arith.constant 0 : i32
      %dma_wait3A_304 = arith.constant 0 : i32
      %dma_wait3A_305 = tpu.memref_slice %arg3[%dma_wait3A_303, %dma_wait3A_304] : memref<1000000x64xf32, #tpu.memory_space<hbm>> -> memref<1000000x64xf32, #tpu.memory_space<hbm>>
      %dma_wait3A_306 = tpu.memref_slice %arg8[%dma_wait3A_295] : memref<2x!tpu.dma_semaphore, #tpu.memory_space<semaphore_mem>> -> memref<1x!tpu.dma_semaphore, #tpu.memory_space<semaphore_mem>>
      %dma_wait3A_307 = tpu.memref_squeeze %dma_wait3A_306 : memref<1x!tpu.dma_semaphore, #tpu.memory_space<semaphore_mem>> -> memref<!tpu.dma_semaphore, #tpu.memory_space<semaphore_mem>>
      tpu.wait_indirect_dma semaphore(%dma_wait3A_307 : memref<!tpu.dma_semaphore, #tpu.memory_space<semaphore_mem>>) src(%dma_wait3A_305 : memref<1000000x64xf32, #tpu.memory_space<hbm>>) dst(%dma_wait3A_299 : memref<128x64xf32, #tpu.memory_space<vmem>>)
      %dma_wait3A_308 = arith.constant 1 : i32
      %dma_wait3A_309 = arith.constant 1 : i32
      %dma_wait3A_310 = arith.constant 1 : i32
      %dma_wait3A_311 = arith.constant 256 : i32
      %dma_wait3A_312 = arith.constant 0 : i32
      %dma_wait3A_313 = tpu.memref_slice %arg6[%dma_wait3A_309, %dma_wait3A_311, %dma_wait3A_312] : memref<2x400x64xf32, #tpu.memory_space<vmem>> -> memref<1x128x64xf32, #tpu.memory_space<vmem>>
      %dma_wait3A_314 = tpu.memref_squeeze %dma_wait3A_313 : memref<1x128x64xf32, #tpu.memory_space<vmem>> -> memref<128x64xf32, #tpu.memory_space<vmem>>
      %dma_wait3A_315 = arith.constant 256 : i32
      %dma_wait3A_316 = tpu.memref_slice %arg5[%dma_wait3A_308, %dma_wait3A_315] : memref<2x400xi32, #tpu.memory_space<vmem>> -> memref<1x128xi32, #tpu.memory_space<vmem>>
      %dma_wait3A_317 = tpu.memref_squeeze %dma_wait3A_316 : memref<1x128xi32, #tpu.memory_space<vmem>> -> memref<128xi32, #tpu.memory_space<vmem>>
      %dma_wait3A_318 = arith.constant 0 : i32
      %dma_wait3A_319 = arith.constant 0 : i32
      %dma_wait3A_320 = tpu.memref_slice %arg3[%dma_wait3A_318, %dma_wait3A_319] : memref<1000000x64xf32, #tpu.memory_space<hbm>> -> memref<1000000x64xf32, #tpu.memory_space<hbm>>
      %dma_wait3A_321 = tpu.memref_slice %arg8[%dma_wait3A_310] : memref<2x!tpu.dma_semaphore, #tpu.memory_space<semaphore_mem>> -> memref<1x!tpu.dma_semaphore, #tpu.memory_space<semaphore_mem>>
      %dma_wait3A_322 = tpu.memref_squeeze %dma_wait3A_321 : memref<1x!tpu.dma_semaphore, #tpu.memory_space<semaphore_mem>> -> memref<!tpu.dma_semaphore, #tpu.memory_space<semaphore_mem>>
      tpu.wait_indirect_dma semaphore(%dma_wait3A_322 : memref<!tpu.dma_semaphore, #tpu.memory_space<semaphore_mem>>) src(%dma_wait3A_320 : memref<1000000x64xf32, #tpu.memory_space<hbm>>) dst(%dma_wait3A_314 : memref<128x64xf32, #tpu.memory_space<vmem>>)
      %dma_wait3A_323 = arith.constant 1 : i32
      %dma_wait3A_324 = arith.constant 1 : i32
      %dma_wait3A_325 = arith.constant 1 : i32
      %dma_wait3A_326 = arith.constant 384 : i32
      %dma_wait3A_327 = arith.constant 0 : i32
      %dma_wait3A_328 = tpu.memref_slice %arg6[%dma_wait3A_324, %dma_wait3A_326, %dma_wait3A_327] : memref<2x400x64xf32, #tpu.memory_space<vmem>> -> memref<1x16x64xf32, #tpu.memory_space<vmem>>
      %dma_wait3A_329 = tpu.memref_squeeze %dma_wait3A_328 : memref<1x16x64xf32, #tpu.memory_space<vmem>> -> memref<16x64xf32, #tpu.memory_space<vmem>>
      %dma_wait3A_330 = arith.constant 384 : i32
      %dma_wait3A_331 = tpu.memref_slice %arg5[%dma_wait3A_323, %dma_wait3A_330] : memref<2x400xi32, #tpu.memory_space<vmem>> -> memref<1x16xi32, #tpu.memory_space<vmem>>
      %dma_wait3A_332 = tpu.memref_squeeze %dma_wait3A_331 : memref<1x16xi32, #tpu.memory_space<vmem>> -> memref<16xi32, #tpu.memory_space<vmem>>
      %dma_wait3A_333 = arith.constant 0 : i32
      %dma_wait3A_334 = arith.constant 0 : i32
      %dma_wait3A_335 = tpu.memref_slice %arg3[%dma_wait3A_333, %dma_wait3A_334] : memref<1000000x64xf32, #tpu.memory_space<hbm>> -> memref<1000000x64xf32, #tpu.memory_space<hbm>>
      %dma_wait3A_336 = tpu.memref_slice %arg8[%dma_wait3A_325] : memref<2x!tpu.dma_semaphore, #tpu.memory_space<semaphore_mem>> -> memref<1x!tpu.dma_semaphore, #tpu.memory_space<semaphore_mem>>
      %dma_wait3A_337 = tpu.memref_squeeze %dma_wait3A_336 : memref<1x!tpu.dma_semaphore, #tpu.memory_space<semaphore_mem>> -> memref<!tpu.dma_semaphore, #tpu.memory_space<semaphore_mem>>
      tpu.wait_indirect_dma semaphore(%dma_wait3A_337 : memref<!tpu.dma_semaphore, #tpu.memory_space<semaphore_mem>>) src(%dma_wait3A_335 : memref<1000000x64xf32, #tpu.memory_space<hbm>>) dst(%dma_wait3A_329 : memref<16x64xf32, #tpu.memory_space<vmem>>)
      %add3A_338 = arith.constant 2 : i32
      %add3A_339 = arith.addi %add3A_270, %add3A_338 : i32
      %lt3A_340 = arith.constant 64 : i32
      %lt3A_341 = arith.cmpi slt, %add3A_339, %lt3A_340 : i32
      %convert_element_type3A_342 = arith.extui %lt3A_341 : i1 to i32
      %cond3A_343 = arith.constant 0 : i32
      %cond3A_344 = arith.cmpi ne, %convert_element_type3A_342, %cond3A_343 : i32
      scf.if %cond3A_344 {
        %add3A_372 = arith.constant 2 : i32
        %add3A_373 = arith.addi %add3A_270, %add3A_372 : i32
        %add3A_374 = arith.addi %mul3A_2, %add3A_373 : i32
        %dma_start3A_375 = arith.constant 1 : i32
        %dma_start3A_376 = arith.constant 1 : i32
        %dma_start3A_377 = arith.constant 0 : i32
        %dma_start3A_378 = tpu.memref_slice %arg5[%dma_start3A_375, %dma_start3A_377] : memref<2x400xi32, #tpu.memory_space<vmem>> -> memref<1x400xi32, #tpu.memory_space<vmem>>
        %dma_start3A_379 = tpu.memref_squeeze %dma_start3A_378 : memref<1x400xi32, #tpu.memory_space<vmem>> -> memref<400xi32, #tpu.memory_space<vmem>>
        %dma_start3A_380 = arith.constant 0 : i32
        %dma_start3A_381 = tpu.memref_slice %arg2[%add3A_374, %dma_start3A_380] : memref<2048x400xi32, #tpu.memory_space<hbm>> -> memref<1x400xi32, #tpu.memory_space<hbm>>
        %dma_start3A_382 = tpu.memref_squeeze %dma_start3A_381 : memref<1x400xi32, #tpu.memory_space<hbm>> -> memref<400xi32, #tpu.memory_space<hbm>>
        %dma_start3A_383 = tpu.memref_slice %arg7[%dma_start3A_376] : memref<2x!tpu.dma_semaphore, #tpu.memory_space<semaphore_mem>> -> memref<1x!tpu.dma_semaphore, #tpu.memory_space<semaphore_mem>>
        %dma_start3A_384 = tpu.memref_squeeze %dma_start3A_383 : memref<1x!tpu.dma_semaphore, #tpu.memory_space<semaphore_mem>> -> memref<!tpu.dma_semaphore, #tpu.memory_space<semaphore_mem>>
        %dma_start3A_385 = arith.constant 0 : i32
        %dma_start3A_386 = tpu.memref_slice %arg5[%dma_start3A_375, %dma_start3A_385] : memref<2x400xi32, #tpu.memory_space<vmem>> -> memref<1x400xi32, #tpu.memory_space<vmem>>
        %dma_start3A_387 = tpu.memref_squeeze %dma_start3A_386 : memref<1x400xi32, #tpu.memory_space<vmem>> -> memref<400xi32, #tpu.memory_space<vmem>>
        %dma_start3A_388 = arith.constant 0 : i32
        %dma_start3A_389 = tpu.memref_slice %arg2[%add3A_374, %dma_start3A_388] : memref<2048x400xi32, #tpu.memory_space<hbm>> -> memref<1x400xi32, #tpu.memory_space<hbm>>
        %dma_start3A_390 = tpu.memref_squeeze %dma_start3A_389 : memref<1x400xi32, #tpu.memory_space<hbm>> -> memref<400xi32, #tpu.memory_space<hbm>>
        tpu.enqueue_dma source(%dma_start3A_390 : memref<400xi32, #tpu.memory_space<hbm>>) target(%dma_start3A_387 : memref<400xi32, #tpu.memory_space<vmem>>) target_semaphore(%dma_start3A_384 : memref<!tpu.dma_semaphore, #tpu.memory_space<semaphore_mem>>)
      } else {
      }
      %scan3A_345 = arith.constant 0 : i32
      %scan3A_346 = arith.constant 0 : i32
      %scan3A_347 = arith.constant 1600 : i32
      %scan3A_348 = arith.addi %scan3A_346, %scan3A_347 : i32
      %scan3A_349 = arith.constant 8 : i32
      scf.for %scan3A_372 = %scan3A_346 to %scan3A_348 step %scan3A_349  : i32 {
        %jit3A = arith.constant 4 : i32
        %div3A = arith.divsi %scan3A_372, %jit3A : i32
        %sign3A = arith.constant 0 : i32
        %sign3A_373 = arith.cmpi sgt, %scan3A_372, %sign3A : i32
        %sign3A_374 = arith.extui %sign3A_373 : i1 to i32
        %sign3A_375 = arith.constant 0 : i32
        %sign3A_376 = arith.cmpi slt, %scan3A_372, %sign3A_375 : i32
        %sign3A_377 = arith.extui %sign3A_376 : i1 to i32
        %sign3A_378 = arith.subi %sign3A_374, %sign3A_377 : i32
        %sign3A_379 = arith.constant 0 : i32
        %sign3A_380 = arith.cmpi sgt, %jit3A, %sign3A_379 : i32
        %sign3A_381 = arith.extui %sign3A_380 : i1 to i32
        %sign3A_382 = arith.constant 0 : i32
        %sign3A_383 = arith.cmpi slt, %jit3A, %sign3A_382 : i32
        %sign3A_384 = arith.extui %sign3A_383 : i1 to i32
        %sign3A_385 = arith.subi %sign3A_381, %sign3A_384 : i32
        %ne3A = arith.cmpi ne, %sign3A_378, %sign3A_385 : i32
        %rem3A = arith.remsi %scan3A_372, %jit3A : i32
        %ne3A_386 = arith.constant 0 : i32
        %ne3A_387 = arith.cmpi ne, %rem3A, %ne3A_386 : i32
        %and3A = arith.andi %ne3A, %ne3A_387 : i1
        %sub3A = arith.constant 1 : i32
        %sub3A_388 = arith.subi %div3A, %sub3A : i32
        %select_n3A = arith.select %and3A, %sub3A_388, %div3A : i32
        %jit3A_389 = arith.constant 4 : i32
        %eq3A = arith.constant 0 : i32
        %eq3A_390 = arith.cmpi eq, %jit3A_389, %eq3A : i32
        %jit3A_391 = arith.constant 1 : i32
        %select_n3A_392 = arith.select %eq3A_390, %jit3A_391, %jit3A_389 : i32
        %rem3A_393 = arith.remsi %scan3A_372, %select_n3A_392 : i32
        %ne3A_394 = arith.constant 0 : i32
        %ne3A_395 = arith.cmpi ne, %rem3A_393, %ne3A_394 : i32
        %lt3A_396 = arith.constant 0 : i32
        %lt3A_397 = arith.cmpi slt, %rem3A_393, %lt3A_396 : i32
        %lt3A_398 = arith.constant 0 : i32
        %lt3A_399 = arith.cmpi slt, %select_n3A_392, %lt3A_398 : i32
        %ne3A_400 = arith.xori %lt3A_397, %lt3A_399 : i1
        %and3A_401 = arith.andi %ne3A_400, %ne3A_395 : i1
        %add3A_402 = arith.addi %rem3A_393, %select_n3A_392 : i32
        %select_n3A_403 = arith.select %and3A_401, %add3A_402, %rem3A_393 : i32
        %mul3A_404 = arith.constant 16 : i32
        %mul3A_405 = arith.muli %select_n3A_403, %mul3A_404 : i32
        %get3A = arith.constant 1 : i32
        %get3A_406 = arith.index_cast %get3A : i32 to index
        %get3A_407 = arith.index_cast %select_n3A : i32 to index
        %get3A_408 = arith.index_cast %mul3A_405 : i32 to index
        %get3A_409 = tpu.vector_load %arg6[%get3A_406, %get3A_407, %get3A_408] {strides = array<i32>} : memref<2x400x64xf32, #tpu.memory_space<vmem>>, vector<16xf32>,
        %mul3A_410 = arith.constant 8.000000e+00 : f32
        %mul3A_411 = vector.broadcast %mul3A_410 : f32 to vector<16xf32>
        %mul3A_412 = arith.mulf %get3A_409, %mul3A_411 : vector<16xf32>
        %swap3A = arith.constant 1 : i32
        %swap3A_413 = arith.index_cast %swap3A : i32 to index
        %swap3A_414 = arith.index_cast %select_n3A : i32 to index
        %swap3A_415 = arith.index_cast %mul3A_405 : i32 to index
        %swap3A_416 = tpu.vector_load %arg6[%swap3A_413, %swap3A_414, %swap3A_415] {strides = array<i32>} : memref<2x400x64xf32, #tpu.memory_space<vmem>>, vector<16xf32>,
        tpu.vector_store %arg6[%swap3A_413, %swap3A_414, %swap3A_415], %mul3A_412 {strides = array<i32>} : memref<2x400x64xf32, #tpu.memory_space<vmem>>, vector<16xf32>,
        %scan3A_417 = arith.constant 1 : i32
        %scan3A_418 = arith.addi %scan3A_372, %scan3A_417 : i32
        %jit3A_419 = arith.constant 4 : i32
        %div3A_420 = arith.divsi %scan3A_418, %jit3A_419 : i32
        %sign3A_421 = arith.constant 0 : i32
        %sign3A_422 = arith.cmpi sgt, %scan3A_418, %sign3A_421 : i32
        %sign3A_423 = arith.extui %sign3A_422 : i1 to i32
        %sign3A_424 = arith.constant 0 : i32
        %sign3A_425 = arith.cmpi slt, %scan3A_418, %sign3A_424 : i32
        %sign3A_426 = arith.extui %sign3A_425 : i1 to i32
        %sign3A_427 = arith.subi %sign3A_423, %sign3A_426 : i32
        %sign3A_428 = arith.constant 0 : i32
        %sign3A_429 = arith.cmpi sgt, %jit3A_419, %sign3A_428 : i32
        %sign3A_430 = arith.extui %sign3A_429 : i1 to i32
        %sign3A_431 = arith.constant 0 : i32
        %sign3A_432 = arith.cmpi slt, %jit3A_419, %sign3A_431 : i32
        %sign3A_433 = arith.extui %sign3A_432 : i1 to i32
        %sign3A_434 = arith.subi %sign3A_430, %sign3A_433 : i32
        %ne3A_435 = arith.cmpi ne, %sign3A_427, %sign3A_434 : i32
        %rem3A_436 = arith.remsi %scan3A_418, %jit3A_419 : i32
        %ne3A_437 = arith.constant 0 : i32
        %ne3A_438 = arith.cmpi ne, %rem3A_436, %ne3A_437 : i32
        %and3A_439 = arith.andi %ne3A_435, %ne3A_438 : i1
        %sub3A_440 = arith.constant 1 : i32
        %sub3A_441 = arith.subi %div3A_420, %sub3A_440 : i32
        %select_n3A_442 = arith.select %and3A_439, %sub3A_441, %div3A_420 : i32
        %jit3A_443 = arith.constant 4 : i32
        %eq3A_444 = arith.constant 0 : i32
        %eq3A_445 = arith.cmpi eq, %jit3A_443, %eq3A_444 : i32
        %jit3A_446 = arith.constant 1 : i32
        %select_n3A_447 = arith.select %eq3A_445, %jit3A_446, %jit3A_443 : i32
        %rem3A_448 = arith.remsi %scan3A_418, %select_n3A_447 : i32
        %ne3A_449 = arith.constant 0 : i32
        %ne3A_450 = arith.cmpi ne, %rem3A_448, %ne3A_449 : i32
        %lt3A_451 = arith.constant 0 : i32
        %lt3A_452 = arith.cmpi slt, %rem3A_448, %lt3A_451 : i32
        %lt3A_453 = arith.constant 0 : i32
        %lt3A_454 = arith.cmpi slt, %select_n3A_447, %lt3A_453 : i32
        %ne3A_455 = arith.xori %lt3A_452, %lt3A_454 : i1
        %and3A_456 = arith.andi %ne3A_455, %ne3A_450 : i1
        %add3A_457 = arith.addi %rem3A_448, %select_n3A_447 : i32
        %select_n3A_458 = arith.select %and3A_456, %add3A_457, %rem3A_448 : i32
        %mul3A_459 = arith.constant 16 : i32
        %mul3A_460 = arith.muli %select_n3A_458, %mul3A_459 : i32
        %get3A_461 = arith.constant 1 : i32
        %get3A_462 = arith.index_cast %get3A_461 : i32 to index
        %get3A_463 = arith.index_cast %select_n3A_442 : i32 to index
        %get3A_464 = arith.index_cast %mul3A_460 : i32 to index
        %get3A_465 = tpu.vector_load %arg6[%get3A_462, %get3A_463, %get3A_464] {strides = array<i32>} : memref<2x400x64xf32, #tpu.memory_space<vmem>>, vector<16xf32>,
        %mul3A_466 = arith.constant 8.000000e+00 : f32
        %mul3A_467 = vector.broadcast %mul3A_466 : f32 to vector<16xf32>
        %mul3A_468 = arith.mulf %get3A_465, %mul3A_467 : vector<16xf32>
        %swap3A_469 = arith.constant 1 : i32
        %swap3A_470 = arith.index_cast %swap3A_469 : i32 to index
        %swap3A_471 = arith.index_cast %select_n3A_442 : i32 to index
        %swap3A_472 = arith.index_cast %mul3A_460 : i32 to index
        %swap3A_473 = tpu.vector_load %arg6[%swap3A_470, %swap3A_471, %swap3A_472] {strides = array<i32>} : memref<2x400x64xf32, #tpu.memory_space<vmem>>, vector<16xf32>,
        tpu.vector_store %arg6[%swap3A_470, %swap3A_471, %swap3A_472], %mul3A_468 {strides = array<i32>} : memref<2x400x64xf32, #tpu.memory_space<vmem>>, vector<16xf32>,
        %scan3A_474 = arith.constant 2 : i32
        %scan3A_475 = arith.addi %scan3A_372, %scan3A_474 : i32
        %jit3A_476 = arith.constant 4 : i32
        %div3A_477 = arith.divsi %scan3A_475, %jit3A_476 : i32
        %sign3A_478 = arith.constant 0 : i32
        %sign3A_479 = arith.cmpi sgt, %scan3A_475, %sign3A_478 : i32
        %sign3A_480 = arith.extui %sign3A_479 : i1 to i32
        %sign3A_481 = arith.constant 0 : i32
        %sign3A_482 = arith.cmpi slt, %scan3A_475, %sign3A_481 : i32
        %sign3A_483 = arith.extui %sign3A_482 : i1 to i32
        %sign3A_484 = arith.subi %sign3A_480, %sign3A_483 : i32
        %sign3A_485 = arith.constant 0 : i32
        %sign3A_486 = arith.cmpi sgt, %jit3A_476, %sign3A_485 : i32
        %sign3A_487 = arith.extui %sign3A_486 : i1 to i32
        %sign3A_488 = arith.constant 0 : i32
        %sign3A_489 = arith.cmpi slt, %jit3A_476, %sign3A_488 : i32
        %sign3A_490 = arith.extui %sign3A_489 : i1 to i32
        %sign3A_491 = arith.subi %sign3A_487, %sign3A_490 : i32
        %ne3A_492 = arith.cmpi ne, %sign3A_484, %sign3A_491 : i32
        %rem3A_493 = arith.remsi %scan3A_475, %jit3A_476 : i32
        %ne3A_494 = arith.constant 0 : i32
        %ne3A_495 = arith.cmpi ne, %rem3A_493, %ne3A_494 : i32
        %and3A_496 = arith.andi %ne3A_492, %ne3A_495 : i1
        %sub3A_497 = arith.constant 1 : i32
        %sub3A_498 = arith.subi %div3A_477, %sub3A_497 : i32
        %select_n3A_499 = arith.select %and3A_496, %sub3A_498, %div3A_477 : i32
        %jit3A_500 = arith.constant 4 : i32
        %eq3A_501 = arith.constant 0 : i32
        %eq3A_502 = arith.cmpi eq, %jit3A_500, %eq3A_501 : i32
        %jit3A_503 = arith.constant 1 : i32
        %select_n3A_504 = arith.select %eq3A_502, %jit3A_503, %jit3A_500 : i32
        %rem3A_505 = arith.remsi %scan3A_475, %select_n3A_504 : i32
        %ne3A_506 = arith.constant 0 : i32
        %ne3A_507 = arith.cmpi ne, %rem3A_505, %ne3A_506 : i32
        %lt3A_508 = arith.constant 0 : i32
        %lt3A_509 = arith.cmpi slt, %rem3A_505, %lt3A_508 : i32
        %lt3A_510 = arith.constant 0 : i32
        %lt3A_511 = arith.cmpi slt, %select_n3A_504, %lt3A_510 : i32
        %ne3A_512 = arith.xori %lt3A_509, %lt3A_511 : i1
        %and3A_513 = arith.andi %ne3A_512, %ne3A_507 : i1
        %add3A_514 = arith.addi %rem3A_505, %select_n3A_504 : i32
        %select_n3A_515 = arith.select %and3A_513, %add3A_514, %rem3A_505 : i32
        %mul3A_516 = arith.constant 16 : i32
        %mul3A_517 = arith.muli %select_n3A_515, %mul3A_516 : i32
        %get3A_518 = arith.constant 1 : i32
        %get3A_519 = arith.index_cast %get3A_518 : i32 to index
        %get3A_520 = arith.index_cast %select_n3A_499 : i32 to index
        %get3A_521 = arith.index_cast %mul3A_517 : i32 to index
        %get3A_522 = tpu.vector_load %arg6[%get3A_519, %get3A_520, %get3A_521] {strides = array<i32>} : memref<2x400x64xf32, #tpu.memory_space<vmem>>, vector<16xf32>,
        %mul3A_523 = arith.constant 8.000000e+00 : f32
        %mul3A_524 = vector.broadcast %mul3A_523 : f32 to vector<16xf32>
        %mul3A_525 = arith.mulf %get3A_522, %mul3A_524 : vector<16xf32>
        %swap3A_526 = arith.constant 1 : i32
        %swap3A_527 = arith.index_cast %swap3A_526 : i32 to index
        %swap3A_528 = arith.index_cast %select_n3A_499 : i32 to index
        %swap3A_529 = arith.index_cast %mul3A_517 : i32 to index
        %swap3A_530 = tpu.vector_load %arg6[%swap3A_527, %swap3A_528, %swap3A_529] {strides = array<i32>} : memref<2x400x64xf32, #tpu.memory_space<vmem>>, vector<16xf32>,
        tpu.vector_store %arg6[%swap3A_527, %swap3A_528, %swap3A_529], %mul3A_525 {strides = array<i32>} : memref<2x400x64xf32, #tpu.memory_space<vmem>>, vector<16xf32>,
        %scan3A_531 = arith.constant 3 : i32
        %scan3A_532 = arith.addi %scan3A_372, %scan3A_531 : i32
        %jit3A_533 = arith.constant 4 : i32
        %div3A_534 = arith.divsi %scan3A_532, %jit3A_533 : i32
        %sign3A_535 = arith.constant 0 : i32
        %sign3A_536 = arith.cmpi sgt, %scan3A_532, %sign3A_535 : i32
        %sign3A_537 = arith.extui %sign3A_536 : i1 to i32
        %sign3A_538 = arith.constant 0 : i32
        %sign3A_539 = arith.cmpi slt, %scan3A_532, %sign3A_538 : i32
        %sign3A_540 = arith.extui %sign3A_539 : i1 to i32
        %sign3A_541 = arith.subi %sign3A_537, %sign3A_540 : i32
        %sign3A_542 = arith.constant 0 : i32
        %sign3A_543 = arith.cmpi sgt, %jit3A_533, %sign3A_542 : i32
        %sign3A_544 = arith.extui %sign3A_543 : i1 to i32
        %sign3A_545 = arith.constant 0 : i32
        %sign3A_546 = arith.cmpi slt, %jit3A_533, %sign3A_545 : i32
        %sign3A_547 = arith.extui %sign3A_546 : i1 to i32
        %sign3A_548 = arith.subi %sign3A_544, %sign3A_547 : i32
        %ne3A_549 = arith.cmpi ne, %sign3A_541, %sign3A_548 : i32
        %rem3A_550 = arith.remsi %scan3A_532, %jit3A_533 : i32
        %ne3A_551 = arith.constant 0 : i32
        %ne3A_552 = arith.cmpi ne, %rem3A_550, %ne3A_551 : i32
        %and3A_553 = arith.andi %ne3A_549, %ne3A_552 : i1
        %sub3A_554 = arith.constant 1 : i32
        %sub3A_555 = arith.subi %div3A_534, %sub3A_554 : i32
        %select_n3A_556 = arith.select %and3A_553, %sub3A_555, %div3A_534 : i32
        %jit3A_557 = arith.constant 4 : i32
        %eq3A_558 = arith.constant 0 : i32
        %eq3A_559 = arith.cmpi eq, %jit3A_557, %eq3A_558 : i32
        %jit3A_560 = arith.constant 1 : i32
        %select_n3A_561 = arith.select %eq3A_559, %jit3A_560, %jit3A_557 : i32
        %rem3A_562 = arith.remsi %scan3A_532, %select_n3A_561 : i32
        %ne3A_563 = arith.constant 0 : i32
        %ne3A_564 = arith.cmpi ne, %rem3A_562, %ne3A_563 : i32
        %lt3A_565 = arith.constant 0 : i32
        %lt3A_566 = arith.cmpi slt, %rem3A_562, %lt3A_565 : i32
        %lt3A_567 = arith.constant 0 : i32
        %lt3A_568 = arith.cmpi slt, %select_n3A_561, %lt3A_567 : i32
        %ne3A_569 = arith.xori %lt3A_566, %lt3A_568 : i1
        %and3A_570 = arith.andi %ne3A_569, %ne3A_564 : i1
        %add3A_571 = arith.addi %rem3A_562, %select_n3A_561 : i32
        %select_n3A_572 = arith.select %and3A_570, %add3A_571, %rem3A_562 : i32
        %mul3A_573 = arith.constant 16 : i32
        %mul3A_574 = arith.muli %select_n3A_572, %mul3A_573 : i32
        %get3A_575 = arith.constant 1 : i32
        %get3A_576 = arith.index_cast %get3A_575 : i32 to index
        %get3A_577 = arith.index_cast %select_n3A_556 : i32 to index
        %get3A_578 = arith.index_cast %mul3A_574 : i32 to index
        %get3A_579 = tpu.vector_load %arg6[%get3A_576, %get3A_577, %get3A_578] {strides = array<i32>} : memref<2x400x64xf32, #tpu.memory_space<vmem>>, vector<16xf32>,
        %mul3A_580 = arith.constant 8.000000e+00 : f32
        %mul3A_581 = vector.broadcast %mul3A_580 : f32 to vector<16xf32>
        %mul3A_582 = arith.mulf %get3A_579, %mul3A_581 : vector<16xf32>
        %swap3A_583 = arith.constant 1 : i32
        %swap3A_584 = arith.index_cast %swap3A_583 : i32 to index
        %swap3A_585 = arith.index_cast %select_n3A_556 : i32 to index
        %swap3A_586 = arith.index_cast %mul3A_574 : i32 to index
        %swap3A_587 = tpu.vector_load %arg6[%swap3A_584, %swap3A_585, %swap3A_586] {strides = array<i32>} : memref<2x400x64xf32, #tpu.memory_space<vmem>>, vector<16xf32>,
        tpu.vector_store %arg6[%swap3A_584, %swap3A_585, %swap3A_586], %mul3A_582 {strides = array<i32>} : memref<2x400x64xf32, #tpu.memory_space<vmem>>, vector<16xf32>,
        %scan3A_588 = arith.constant 4 : i32
        %scan3A_589 = arith.addi %scan3A_372, %scan3A_588 : i32
        %jit3A_590 = arith.constant 4 : i32
        %div3A_591 = arith.divsi %scan3A_589, %jit3A_590 : i32
        %sign3A_592 = arith.constant 0 : i32
        %sign3A_593 = arith.cmpi sgt, %scan3A_589, %sign3A_592 : i32
        %sign3A_594 = arith.extui %sign3A_593 : i1 to i32
        %sign3A_595 = arith.constant 0 : i32
        %sign3A_596 = arith.cmpi slt, %scan3A_589, %sign3A_595 : i32
        %sign3A_597 = arith.extui %sign3A_596 : i1 to i32
        %sign3A_598 = arith.subi %sign3A_594, %sign3A_597 : i32
        %sign3A_599 = arith.constant 0 : i32
        %sign3A_600 = arith.cmpi sgt, %jit3A_590, %sign3A_599 : i32
        %sign3A_601 = arith.extui %sign3A_600 : i1 to i32
        %sign3A_602 = arith.constant 0 : i32
        %sign3A_603 = arith.cmpi slt, %jit3A_590, %sign3A_602 : i32
        %sign3A_604 = arith.extui %sign3A_603 : i1 to i32
        %sign3A_605 = arith.subi %sign3A_601, %sign3A_604 : i32
        %ne3A_606 = arith.cmpi ne, %sign3A_598, %sign3A_605 : i32
        %rem3A_607 = arith.remsi %scan3A_589, %jit3A_590 : i32
        %ne3A_608 = arith.constant 0 : i32
        %ne3A_609 = arith.cmpi ne, %rem3A_607, %ne3A_608 : i32
        %and3A_610 = arith.andi %ne3A_606, %ne3A_609 : i1
        %sub3A_611 = arith.constant 1 : i32
        %sub3A_612 = arith.subi %div3A_591, %sub3A_611 : i32
        %select_n3A_613 = arith.select %and3A_610, %sub3A_612, %div3A_591 : i32
        %jit3A_614 = arith.constant 4 : i32
        %eq3A_615 = arith.constant 0 : i32
        %eq3A_616 = arith.cmpi eq, %jit3A_614, %eq3A_615 : i32
        %jit3A_617 = arith.constant 1 : i32
        %select_n3A_618 = arith.select %eq3A_616, %jit3A_617, %jit3A_614 : i32
        %rem3A_619 = arith.remsi %scan3A_589, %select_n3A_618 : i32
        %ne3A_620 = arith.constant 0 : i32
        %ne3A_621 = arith.cmpi ne, %rem3A_619, %ne3A_620 : i32
        %lt3A_622 = arith.constant 0 : i32
        %lt3A_623 = arith.cmpi slt, %rem3A_619, %lt3A_622 : i32
        %lt3A_624 = arith.constant 0 : i32
        %lt3A_625 = arith.cmpi slt, %select_n3A_618, %lt3A_624 : i32
        %ne3A_626 = arith.xori %lt3A_623, %lt3A_625 : i1
        %and3A_627 = arith.andi %ne3A_626, %ne3A_621 : i1
        %add3A_628 = arith.addi %rem3A_619, %select_n3A_618 : i32
        %select_n3A_629 = arith.select %and3A_627, %add3A_628, %rem3A_619 : i32
        %mul3A_630 = arith.constant 16 : i32
        %mul3A_631 = arith.muli %select_n3A_629, %mul3A_630 : i32
        %get3A_632 = arith.constant 1 : i32
        %get3A_633 = arith.index_cast %get3A_632 : i32 to index
        %get3A_634 = arith.index_cast %select_n3A_613 : i32 to index
        %get3A_635 = arith.index_cast %mul3A_631 : i32 to index
        %get3A_636 = tpu.vector_load %arg6[%get3A_633, %get3A_634, %get3A_635] {strides = array<i32>} : memref<2x400x64xf32, #tpu.memory_space<vmem>>, vector<16xf32>,
        %mul3A_637 = arith.constant 8.000000e+00 : f32
        %mul3A_638 = vector.broadcast %mul3A_637 : f32 to vector<16xf32>
        %mul3A_639 = arith.mulf %get3A_636, %mul3A_638 : vector<16xf32>
        %swap3A_640 = arith.constant 1 : i32
        %swap3A_641 = arith.index_cast %swap3A_640 : i32 to index
        %swap3A_642 = arith.index_cast %select_n3A_613 : i32 to index
        %swap3A_643 = arith.index_cast %mul3A_631 : i32 to index
        %swap3A_644 = tpu.vector_load %arg6[%swap3A_641, %swap3A_642, %swap3A_643] {strides = array<i32>} : memref<2x400x64xf32, #tpu.memory_space<vmem>>, vector<16xf32>,
        tpu.vector_store %arg6[%swap3A_641, %swap3A_642, %swap3A_643], %mul3A_639 {strides = array<i32>} : memref<2x400x64xf32, #tpu.memory_space<vmem>>, vector<16xf32>,
        %scan3A_645 = arith.constant 5 : i32
        %scan3A_646 = arith.addi %scan3A_372, %scan3A_645 : i32
        %jit3A_647 = arith.constant 4 : i32
        %div3A_648 = arith.divsi %scan3A_646, %jit3A_647 : i32
        %sign3A_649 = arith.constant 0 : i32
        %sign3A_650 = arith.cmpi sgt, %scan3A_646, %sign3A_649 : i32
        %sign3A_651 = arith.extui %sign3A_650 : i1 to i32
        %sign3A_652 = arith.constant 0 : i32
        %sign3A_653 = arith.cmpi slt, %scan3A_646, %sign3A_652 : i32
        %sign3A_654 = arith.extui %sign3A_653 : i1 to i32
        %sign3A_655 = arith.subi %sign3A_651, %sign3A_654 : i32
        %sign3A_656 = arith.constant 0 : i32
        %sign3A_657 = arith.cmpi sgt, %jit3A_647, %sign3A_656 : i32
        %sign3A_658 = arith.extui %sign3A_657 : i1 to i32
        %sign3A_659 = arith.constant 0 : i32
        %sign3A_660 = arith.cmpi slt, %jit3A_647, %sign3A_659 : i32
        %sign3A_661 = arith.extui %sign3A_660 : i1 to i32
        %sign3A_662 = arith.subi %sign3A_658, %sign3A_661 : i32
        %ne3A_663 = arith.cmpi ne, %sign3A_655, %sign3A_662 : i32
        %rem3A_664 = arith.remsi %scan3A_646, %jit3A_647 : i32
        %ne3A_665 = arith.constant 0 : i32
        %ne3A_666 = arith.cmpi ne, %rem3A_664, %ne3A_665 : i32
        %and3A_667 = arith.andi %ne3A_663, %ne3A_666 : i1
        %sub3A_668 = arith.constant 1 : i32
        %sub3A_669 = arith.subi %div3A_648, %sub3A_668 : i32
        %select_n3A_670 = arith.select %and3A_667, %sub3A_669, %div3A_648 : i32
        %jit3A_671 = arith.constant 4 : i32
        %eq3A_672 = arith.constant 0 : i32
        %eq3A_673 = arith.cmpi eq, %jit3A_671, %eq3A_672 : i32
        %jit3A_674 = arith.constant 1 : i32
        %select_n3A_675 = arith.select %eq3A_673, %jit3A_674, %jit3A_671 : i32
        %rem3A_676 = arith.remsi %scan3A_646, %select_n3A_675 : i32
        %ne3A_677 = arith.constant 0 : i32
        %ne3A_678 = arith.cmpi ne, %rem3A_676, %ne3A_677 : i32
        %lt3A_679 = arith.constant 0 : i32
        %lt3A_680 = arith.cmpi slt, %rem3A_676, %lt3A_679 : i32
        %lt3A_681 = arith.constant 0 : i32
        %lt3A_682 = arith.cmpi slt, %select_n3A_675, %lt3A_681 : i32
        %ne3A_683 = arith.xori %lt3A_680, %lt3A_682 : i1
        %and3A_684 = arith.andi %ne3A_683, %ne3A_678 : i1
        %add3A_685 = arith.addi %rem3A_676, %select_n3A_675 : i32
        %select_n3A_686 = arith.select %and3A_684, %add3A_685, %rem3A_676 : i32
        %mul3A_687 = arith.constant 16 : i32
        %mul3A_688 = arith.muli %select_n3A_686, %mul3A_687 : i32
        %get3A_689 = arith.constant 1 : i32
        %get3A_690 = arith.index_cast %get3A_689 : i32 to index
        %get3A_691 = arith.index_cast %select_n3A_670 : i32 to index
        %get3A_692 = arith.index_cast %mul3A_688 : i32 to index
        %get3A_693 = tpu.vector_load %arg6[%get3A_690, %get3A_691, %get3A_692] {strides = array<i32>} : memref<2x400x64xf32, #tpu.memory_space<vmem>>, vector<16xf32>,
        %mul3A_694 = arith.constant 8.000000e+00 : f32
        %mul3A_695 = vector.broadcast %mul3A_694 : f32 to vector<16xf32>
        %mul3A_696 = arith.mulf %get3A_693, %mul3A_695 : vector<16xf32>
        %swap3A_697 = arith.constant 1 : i32
        %swap3A_698 = arith.index_cast %swap3A_697 : i32 to index
        %swap3A_699 = arith.index_cast %select_n3A_670 : i32 to index
        %swap3A_700 = arith.index_cast %mul3A_688 : i32 to index
        %swap3A_701 = tpu.vector_load %arg6[%swap3A_698, %swap3A_699, %swap3A_700] {strides = array<i32>} : memref<2x400x64xf32, #tpu.memory_space<vmem>>, vector<16xf32>,
        tpu.vector_store %arg6[%swap3A_698, %swap3A_699, %swap3A_700], %mul3A_696 {strides = array<i32>} : memref<2x400x64xf32, #tpu.memory_space<vmem>>, vector<16xf32>,
        %scan3A_702 = arith.constant 6 : i32
        %scan3A_703 = arith.addi %scan3A_372, %scan3A_702 : i32
        %jit3A_704 = arith.constant 4 : i32
        %div3A_705 = arith.divsi %scan3A_703, %jit3A_704 : i32
        %sign3A_706 = arith.constant 0 : i32
        %sign3A_707 = arith.cmpi sgt, %scan3A_703, %sign3A_706 : i32
        %sign3A_708 = arith.extui %sign3A_707 : i1 to i32
        %sign3A_709 = arith.constant 0 : i32
        %sign3A_710 = arith.cmpi slt, %scan3A_703, %sign3A_709 : i32
        %sign3A_711 = arith.extui %sign3A_710 : i1 to i32
        %sign3A_712 = arith.subi %sign3A_708, %sign3A_711 : i32
        %sign3A_713 = arith.constant 0 : i32
        %sign3A_714 = arith.cmpi sgt, %jit3A_704, %sign3A_713 : i32
        %sign3A_715 = arith.extui %sign3A_714 : i1 to i32
        %sign3A_716 = arith.constant 0 : i32
        %sign3A_717 = arith.cmpi slt, %jit3A_704, %sign3A_716 : i32
        %sign3A_718 = arith.extui %sign3A_717 : i1 to i32
        %sign3A_719 = arith.subi %sign3A_715, %sign3A_718 : i32
        %ne3A_720 = arith.cmpi ne, %sign3A_712, %sign3A_719 : i32
        %rem3A_721 = arith.remsi %scan3A_703, %jit3A_704 : i32
        %ne3A_722 = arith.constant 0 : i32
        %ne3A_723 = arith.cmpi ne, %rem3A_721, %ne3A_722 : i32
        %and3A_724 = arith.andi %ne3A_720, %ne3A_723 : i1
        %sub3A_725 = arith.constant 1 : i32
        %sub3A_726 = arith.subi %div3A_705, %sub3A_725 : i32
        %select_n3A_727 = arith.select %and3A_724, %sub3A_726, %div3A_705 : i32
        %jit3A_728 = arith.constant 4 : i32
        %eq3A_729 = arith.constant 0 : i32
        %eq3A_730 = arith.cmpi eq, %jit3A_728, %eq3A_729 : i32
        %jit3A_731 = arith.constant 1 : i32
        %select_n3A_732 = arith.select %eq3A_730, %jit3A_731, %jit3A_728 : i32
        %rem3A_733 = arith.remsi %scan3A_703, %select_n3A_732 : i32
        %ne3A_734 = arith.constant 0 : i32
        %ne3A_735 = arith.cmpi ne, %rem3A_733, %ne3A_734 : i32
        %lt3A_736 = arith.constant 0 : i32
        %lt3A_737 = arith.cmpi slt, %rem3A_733, %lt3A_736 : i32
        %lt3A_738 = arith.constant 0 : i32
        %lt3A_739 = arith.cmpi slt, %select_n3A_732, %lt3A_738 : i32
        %ne3A_740 = arith.xori %lt3A_737, %lt3A_739 : i1
        %and3A_741 = arith.andi %ne3A_740, %ne3A_735 : i1
        %add3A_742 = arith.addi %rem3A_733, %select_n3A_732 : i32
        %select_n3A_743 = arith.select %and3A_741, %add3A_742, %rem3A_733 : i32
        %mul3A_744 = arith.constant 16 : i32
        %mul3A_745 = arith.muli %select_n3A_743, %mul3A_744 : i32
        %get3A_746 = arith.constant 1 : i32
        %get3A_747 = arith.index_cast %get3A_746 : i32 to index
        %get3A_748 = arith.index_cast %select_n3A_727 : i32 to index
        %get3A_749 = arith.index_cast %mul3A_745 : i32 to index
        %get3A_750 = tpu.vector_load %arg6[%get3A_747, %get3A_748, %get3A_749] {strides = array<i32>} : memref<2x400x64xf32, #tpu.memory_space<vmem>>, vector<16xf32>,
        %mul3A_751 = arith.constant 8.000000e+00 : f32
        %mul3A_752 = vector.broadcast %mul3A_751 : f32 to vector<16xf32>
        %mul3A_753 = arith.mulf %get3A_750, %mul3A_752 : vector<16xf32>
        %swap3A_754 = arith.constant 1 : i32
        %swap3A_755 = arith.index_cast %swap3A_754 : i32 to index
        %swap3A_756 = arith.index_cast %select_n3A_727 : i32 to index
        %swap3A_757 = arith.index_cast %mul3A_745 : i32 to index
        %swap3A_758 = tpu.vector_load %arg6[%swap3A_755, %swap3A_756, %swap3A_757] {strides = array<i32>} : memref<2x400x64xf32, #tpu.memory_space<vmem>>, vector<16xf32>,
        tpu.vector_store %arg6[%swap3A_755, %swap3A_756, %swap3A_757], %mul3A_753 {strides = array<i32>} : memref<2x400x64xf32, #tpu.memory_space<vmem>>, vector<16xf32>,
        %scan3A_759 = arith.constant 7 : i32
        %scan3A_760 = arith.addi %scan3A_372, %scan3A_759 : i32
        %jit3A_761 = arith.constant 4 : i32
        %div3A_762 = arith.divsi %scan3A_760, %jit3A_761 : i32
        %sign3A_763 = arith.constant 0 : i32
        %sign3A_764 = arith.cmpi sgt, %scan3A_760, %sign3A_763 : i32
        %sign3A_765 = arith.extui %sign3A_764 : i1 to i32
        %sign3A_766 = arith.constant 0 : i32
        %sign3A_767 = arith.cmpi slt, %scan3A_760, %sign3A_766 : i32
        %sign3A_768 = arith.extui %sign3A_767 : i1 to i32
        %sign3A_769 = arith.subi %sign3A_765, %sign3A_768 : i32
        %sign3A_770 = arith.constant 0 : i32
        %sign3A_771 = arith.cmpi sgt, %jit3A_761, %sign3A_770 : i32
        %sign3A_772 = arith.extui %sign3A_771 : i1 to i32
        %sign3A_773 = arith.constant 0 : i32
        %sign3A_774 = arith.cmpi slt, %jit3A_761, %sign3A_773 : i32
        %sign3A_775 = arith.extui %sign3A_774 : i1 to i32
        %sign3A_776 = arith.subi %sign3A_772, %sign3A_775 : i32
        %ne3A_777 = arith.cmpi ne, %sign3A_769, %sign3A_776 : i32
        %rem3A_778 = arith.remsi %scan3A_760, %jit3A_761 : i32
        %ne3A_779 = arith.constant 0 : i32
        %ne3A_780 = arith.cmpi ne, %rem3A_778, %ne3A_779 : i32
        %and3A_781 = arith.andi %ne3A_777, %ne3A_780 : i1
        %sub3A_782 = arith.constant 1 : i32
        %sub3A_783 = arith.subi %div3A_762, %sub3A_782 : i32
        %select_n3A_784 = arith.select %and3A_781, %sub3A_783, %div3A_762 : i32
        %jit3A_785 = arith.constant 4 : i32
        %eq3A_786 = arith.constant 0 : i32
        %eq3A_787 = arith.cmpi eq, %jit3A_785, %eq3A_786 : i32
        %jit3A_788 = arith.constant 1 : i32
        %select_n3A_789 = arith.select %eq3A_787, %jit3A_788, %jit3A_785 : i32
        %rem3A_790 = arith.remsi %scan3A_760, %select_n3A_789 : i32
        %ne3A_791 = arith.constant 0 : i32
        %ne3A_792 = arith.cmpi ne, %rem3A_790, %ne3A_791 : i32
        %lt3A_793 = arith.constant 0 : i32
        %lt3A_794 = arith.cmpi slt, %rem3A_790, %lt3A_793 : i32
        %lt3A_795 = arith.constant 0 : i32
        %lt3A_796 = arith.cmpi slt, %select_n3A_789, %lt3A_795 : i32
        %ne3A_797 = arith.xori %lt3A_794, %lt3A_796 : i1
        %and3A_798 = arith.andi %ne3A_797, %ne3A_792 : i1
        %add3A_799 = arith.addi %rem3A_790, %select_n3A_789 : i32
        %select_n3A_800 = arith.select %and3A_798, %add3A_799, %rem3A_790 : i32
        %mul3A_801 = arith.constant 16 : i32
        %mul3A_802 = arith.muli %select_n3A_800, %mul3A_801 : i32
        %get3A_803 = arith.constant 1 : i32
        %get3A_804 = arith.index_cast %get3A_803 : i32 to index
        %get3A_805 = arith.index_cast %select_n3A_784 : i32 to index
        %get3A_806 = arith.index_cast %mul3A_802 : i32 to index
        %get3A_807 = tpu.vector_load %arg6[%get3A_804, %get3A_805, %get3A_806] {strides = array<i32>} : memref<2x400x64xf32, #tpu.memory_space<vmem>>, vector<16xf32>,
        %mul3A_808 = arith.constant 8.000000e+00 : f32
        %mul3A_809 = vector.broadcast %mul3A_808 : f32 to vector<16xf32>
        %mul3A_810 = arith.mulf %get3A_807, %mul3A_809 : vector<16xf32>
        %swap3A_811 = arith.constant 1 : i32
        %swap3A_812 = arith.index_cast %swap3A_811 : i32 to index
        %swap3A_813 = arith.index_cast %select_n3A_784 : i32 to index
        %swap3A_814 = arith.index_cast %mul3A_802 : i32 to index
        %swap3A_815 = tpu.vector_load %arg6[%swap3A_812, %swap3A_813, %swap3A_814] {strides = array<i32>} : memref<2x400x64xf32, #tpu.memory_space<vmem>>, vector<16xf32>,
        tpu.vector_store %arg6[%swap3A_812, %swap3A_813, %swap3A_814], %mul3A_810 {strides = array<i32>} : memref<2x400x64xf32, #tpu.memory_space<vmem>>, vector<16xf32>,
      }
      %scan3A_350 = arith.constant 1600 : i32
      %add3A_351 = arith.addi %mul3A_2, %add3A_270 : i32
      %dma_start3A_352 = arith.constant 1 : i32
      %dma_start3A_353 = arith.constant 1 : i32
      %dma_start3A_354 = arith.constant 0 : i32
      %dma_start3A_355 = arith.constant 0 : i32
      %dma_start3A_356 = tpu.memref_slice %arg6[%dma_start3A_352, %dma_start3A_354, %dma_start3A_355] : memref<2x400x64xf32, #tpu.memory_space<vmem>> -> memref<1x400x64xf32, #tpu.memory_space<vmem>>
      %dma_start3A_357 = tpu.memref_squeeze %dma_start3A_356 : memref<1x400x64xf32, #tpu.memory_space<vmem>> -> memref<400x64xf32, #tpu.memory_space<vmem>>
      %dma_start3A_358 = arith.constant 0 : i32
      %dma_start3A_359 = arith.constant 0 : i32
      %dma_start3A_360 = tpu.memref_slice %arg4[%add3A_351, %dma_start3A_358, %dma_start3A_359] : memref<2048x400x64xf32, #tpu.memory_space<hbm>> -> memref<1x400x64xf32, #tpu.memory_space<hbm>>
      %dma_start3A_361 = tpu.memref_squeeze %dma_start3A_360 : memref<1x400x64xf32, #tpu.memory_space<hbm>> -> memref<400x64xf32, #tpu.memory_space<hbm>>
      %dma_start3A_362 = tpu.memref_slice %arg9[%dma_start3A_353] : memref<2x!tpu.dma_semaphore, #tpu.memory_space<semaphore_mem>> -> memref<1x!tpu.dma_semaphore, #tpu.memory_space<semaphore_mem>>
      %dma_start3A_363 = tpu.memref_squeeze %dma_start3A_362 : memref<1x!tpu.dma_semaphore, #tpu.memory_space<semaphore_mem>> -> memref<!tpu.dma_semaphore, #tpu.memory_space<semaphore_mem>>
      %dma_start3A_364 = arith.constant 0 : i32
      %dma_start3A_365 = arith.constant 0 : i32
      %dma_start3A_366 = tpu.memref_slice %arg4[%add3A_351, %dma_start3A_364, %dma_start3A_365] : memref<2048x400x64xf32, #tpu.memory_space<hbm>> -> memref<1x400x64xf32, #tpu.memory_space<hbm>>
      %dma_start3A_367 = tpu.memref_squeeze %dma_start3A_366 : memref<1x400x64xf32, #tpu.memory_space<hbm>> -> memref<400x64xf32, #tpu.memory_space<hbm>>
      %dma_start3A_368 = arith.constant 0 : i32
      %dma_start3A_369 = arith.constant 0 : i32
      %dma_start3A_370 = tpu.memref_slice %arg6[%dma_start3A_352, %dma_start3A_368, %dma_start3A_369] : memref<2x400x64xf32, #tpu.memory_space<vmem>> -> memref<1x400x64xf32, #tpu.memory_space<vmem>>
      %dma_start3A_371 = tpu.memref_squeeze %dma_start3A_370 : memref<1x400x64xf32, #tpu.memory_space<vmem>> -> memref<400x64xf32, #tpu.memory_space<vmem>>
      tpu.enqueue_dma source(%dma_start3A_371 : memref<400x64xf32, #tpu.memory_space<vmem>>) target(%dma_start3A_367 : memref<400x64xf32, #tpu.memory_space<hbm>>) target_semaphore(%dma_start3A_363 : memref<!tpu.dma_semaphore, #tpu.memory_space<semaphore_mem>>)
    }
    %scan3A_119 = arith.constant 32 : i32
    %add3A_120 = arith.constant 62 : i32
    %add3A_121 = arith.addi %mul3A_2, %add3A_120 : i32
    %dma_wait3A_122 = arith.constant 0 : i32
    %dma_wait3A_123 = arith.constant 0 : i32
    %dma_wait3A_124 = arith.constant 0 : i32
    %dma_wait3A_125 = arith.constant 0 : i32
    %dma_wait3A_126 = tpu.memref_slice %arg6[%dma_wait3A_122, %dma_wait3A_124, %dma_wait3A_125] : memref<2x400x64xf32, #tpu.memory_space<vmem>> -> memref<1x400x64xf32, #tpu.memory_space<vmem>>
    %dma_wait3A_127 = tpu.memref_squeeze %dma_wait3A_126 : memref<1x400x64xf32, #tpu.memory_space<vmem>> -> memref<400x64xf32, #tpu.memory_space<vmem>>
    %dma_wait3A_128 = arith.constant 0 : i32
    %dma_wait3A_129 = arith.constant 0 : i32
    %dma_wait3A_130 = tpu.memref_slice %arg4[%add3A_121, %dma_wait3A_128, %dma_wait3A_129] : memref<2048x400x64xf32, #tpu.memory_space<hbm>> -> memref<1x400x64xf32, #tpu.memory_space<hbm>>
    %dma_wait3A_131 = tpu.memref_squeeze %dma_wait3A_130 : memref<1x400x64xf32, #tpu.memory_space<hbm>> -> memref<400x64xf32, #tpu.memory_space<hbm>>
    %dma_wait3A_132 = tpu.memref_slice %arg9[%dma_wait3A_123] : memref<2x!tpu.dma_semaphore, #tpu.memory_space<semaphore_mem>> -> memref<1x!tpu.dma_semaphore, #tpu.memory_space<semaphore_mem>>
    %dma_wait3A_133 = tpu.memref_squeeze %dma_wait3A_132 : memref<1x!tpu.dma_semaphore, #tpu.memory_space<semaphore_mem>> -> memref<!tpu.dma_semaphore, #tpu.memory_space<semaphore_mem>>
    %dma_wait3A_134 = arith.constant 0 : i32
    %dma_wait3A_135 = arith.constant 0 : i32
    %dma_wait3A_136 = tpu.memref_slice %arg4[%add3A_121, %dma_wait3A_134, %dma_wait3A_135] : memref<2048x400x64xf32, #tpu.memory_space<hbm>> -> memref<1x400x64xf32, #tpu.memory_space<hbm>>
    %dma_wait3A_137 = tpu.memref_squeeze %dma_wait3A_136 : memref<1x400x64xf32, #tpu.memory_space<hbm>> -> memref<400x64xf32, #tpu.memory_space<hbm>>
    %dma_wait3A_138 = arith.constant 0 : i32
    %dma_wait3A_139 = arith.constant 0 : i32
    %dma_wait3A_140 = tpu.memref_slice %arg6[%dma_wait3A_122, %dma_wait3A_138, %dma_wait3A_139] : memref<2x400x64xf32, #tpu.memory_space<vmem>> -> memref<1x400x64xf32, #tpu.memory_space<vmem>>
    %dma_wait3A_141 = tpu.memref_squeeze %dma_wait3A_140 : memref<1x400x64xf32, #tpu.memory_space<vmem>> -> memref<400x64xf32, #tpu.memory_space<vmem>>
    tpu.wait_dma2 semaphore(%dma_wait3A_133 : memref<!tpu.dma_semaphore, #tpu.memory_space<semaphore_mem>>) src(%dma_wait3A_141 : memref<400x64xf32, #tpu.memory_space<vmem>>) dst(%dma_wait3A_137 : memref<400x64xf32, #tpu.memory_space<hbm>>)
    %add3A_142 = arith.constant 63 : i32
    %add3A_143 = arith.addi %mul3A_2, %add3A_142 : i32
    %dma_wait3A_144 = arith.constant 1 : i32
    %dma_wait3A_145 = arith.constant 1 : i32
    %dma_wait3A_146 = arith.constant 0 : i32
    %dma_wait3A_147 = arith.constant 0 : i32
    %dma_wait3A_148 = tpu.memref_slice %arg6[%dma_wait3A_144, %dma_wait3A_146, %dma_wait3A_147] : memref<2x400x64xf32, #tpu.memory_space<vmem>> -> memref<1x400x64xf32, #tpu.memory_space<vmem>>
    %dma_wait3A_149 = tpu.memref_squeeze %dma_wait3A_148 : memref<1x400x64xf32, #tpu.memory_space<vmem>> -> memref<400x64xf32, #tpu.memory_space<vmem>>
    %dma_wait3A_150 = arith.constant 0 : i32
    %dma_wait3A_151 = arith.constant 0 : i32
    %dma_wait3A_152 = tpu.memref_slice %arg4[%add3A_143, %dma_wait3A_150, %dma_wait3A_151] : memref<2048x400x64xf32, #tpu.memory_space<hbm>> -> memref<1x400x64xf32, #tpu.memory_space<hbm>>
    %dma_wait3A_153 = tpu.memref_squeeze %dma_wait3A_152 : memref<1x400x64xf32, #tpu.memory_space<hbm>> -> memref<400x64xf32, #tpu.memory_space<hbm>>
    %dma_wait3A_154 = tpu.memref_slice %arg9[%dma_wait3A_145] : memref<2x!tpu.dma_semaphore, #tpu.memory_space<semaphore_mem>> -> memref<1x!tpu.dma_semaphore, #tpu.memory_space<semaphore_mem>>
    %dma_wait3A_155 = tpu.memref_squeeze %dma_wait3A_154 : memref<1x!tpu.dma_semaphore, #tpu.memory_space<semaphore_mem>> -> memref<!tpu.dma_semaphore, #tpu.memory_space<semaphore_mem>>
    %dma_wait3A_156 = arith.constant 0 : i32
    %dma_wait3A_157 = arith.constant 0 : i32
    %dma_wait3A_158 = tpu.memref_slice %arg4[%add3A_143, %dma_wait3A_156, %dma_wait3A_157] : memref<2048x400x64xf32, #tpu.memory_space<hbm>> -> memref<1x400x64xf32, #tpu.memory_space<hbm>>
    %dma_wait3A_159 = tpu.memref_squeeze %dma_wait3A_158 : memref<1x400x64xf32, #tpu.memory_space<hbm>> -> memref<400x64xf32, #tpu.memory_space<hbm>>
    %dma_wait3A_160 = arith.constant 0 : i32
    %dma_wait3A_161 = arith.constant 0 : i32
    %dma_wait3A_162 = tpu.memref_slice %arg6[%dma_wait3A_144, %dma_wait3A_160, %dma_wait3A_161] : memref<2x400x64xf32, #tpu.memory_space<vmem>> -> memref<1x400x64xf32, #tpu.memory_space<vmem>>
    %dma_wait3A_163 = tpu.memref_squeeze %dma_wait3A_162 : memref<1x400x64xf32, #tpu.memory_space<vmem>> -> memref<400x64xf32, #tpu.memory_space<vmem>>
    tpu.wait_dma2 semaphore(%dma_wait3A_155 : memref<!tpu.dma_semaphore, #tpu.memory_space<semaphore_mem>>) src(%dma_wait3A_163 : memref<400x64xf32, #tpu.memory_space<vmem>>) dst(%dma_wait3A_159 : memref<400x64xf32, #tpu.memory_space<hbm>>)
    return
  }
}

</mosaic_0001>

<sc_bundles>
// kernel: kernel.3.cloned.1.call-start
scs
__scs_entry_jumppad:
0x0: {  	(pc) =	sbr.rel $0x88, $3  }
0x1: {  	(tag) =	ssettag $0x0;
	lr =	simm.s32 $0x1  }
0x2: {  	[smem:$0x3F9F] =	sst lr;
	_ =	strace $0xD0000000  }
0x3: {  	_ = 	snop  }
0x4: {  	_ = 	snop  }
0x5: {  	_ = 	snop  }
0x6: {  	_ = 	snop  }
0x7: {  	_ = 	snop  }
__scs_overlays_trampoline_lowered:
0x8: {  	[smem:$0x3FAE] =	sst s0  }
0x9: {  	[smem:$0x3FAF] =	sst s1  }
0xa: {  	[smem:$0x3FB0] =	sst s2  }
0xb: {  	[smem:$0x3FB1] =	sst s3  }
0xc: {  	[smem:$0x3FB2] =	sst s4  }
0xd: {  	[smem:$0x3FB3] =	sst s5  }
0xe: {  	[smem:$0x3FB4] =	sst s6  }
0xf: {  	[smem:$0x3FB5] =	sst s7  }
0x10: {  	[smem:$0x3FB6] =	sst s8  }
0x11: {  	[smem:$0x3FB7] =	sst s9;
	s0 =	simm.s32 @!p0 $0x0  }
0x12: {  	s1 =	sld [smem:$0x3F9D];
	s0 =	simm.s32 @p0 $0x1  }
0x13: {  	[smem:$0x3FB8] =	sst s0;
	s0 =	simm.s32 @!p1 $0x0  }
0x14: {  	s2 =	sld [smem:$0x3F9C];
	s0 =	simm.s32 @p1 $0x1  }
0x15: {  	[smem:$0x3FB9] =	sst s0;
	s0 =	simm.s32 @!p2 $0x0  }
0x16: {  	s3 =	sld [smem:$0x3FDB];
	s0 =	simm.s32 @p2 $0x1  }
0x17: {  	s4 =	simm.s32 $0x1BF5;
	[smem:$0x3FBB] =	sst s0  }
0x18: {  	s0 =	sld [smem:$0x3F9E];
	_ =	swait.ge [sflag:s4], $0x0  }
0x19: {  	s7 =	sld [smem:$0x3F9F]  }
0x1a: {  	s8 =	sadd.s32 $0xFFFFE003, lr  }
0x1b: {  	s9 =	sadd.s32 $0xFFFFFEF7, lr;
	s5 =	simm.s32 $0xFFFFFFFF;
	p2 =	slt.u32 s8, $0xFFFFF086  }
0x1c: {  	p1 =	slt.u32 s9, $0xF7A;
	s5 =	simm.s32 @!p2 $0x0  }
0x1d: {  	s5 =	simm.s32 @p1 $0x1;
	p0 =	seq.s32 s7, s2  }
0x1e: {  	s7 =	smul.u32 @!p0 $0xF7A, s2;
	p2 =	seq.s32 @!p0 s5, $0x0  }
0x1f: {  	s9 =	smul.u32 $0xF7A, s1;
	s8 =	simm.s32 @!p0 $0x1BF5;
	p2 =	por !p2, p0  }
0x20: {  	[sflag:s8] =	ssyncset.s32 @!p0 $0xFFFFF086;
	s6 =	sadd.s32 @!p0 s3, s7;
	s7 =	simm.s32 @!p0 $0x108  }
0x21: {  	s3 =	sadd.s32 s3, s9;
	s6 =	sadd.s32 @!p0 $0x88, s6;
	s7 =	simm.s32 @p2 $0x1082  }
0x22: {  	[simem:s7], [sflag:s8] =	dma.local @!p0 [hbm:s6], $0xF7A  }
0x23: {  	s9 =	sor.u32 $0xD0000000, s2;
	s6 =	simm.s32 $0x108;
	_ =	swait.ge @!p0 [sflag:s8], $0x0  }
0x24: {  	s3 =	sadd.s32 $0x88, s3;
	s6 =	simm.s32 @!p1 $0x1082;
	[sflag:s4] =	ssyncset.s32 $0xFFFFF086  }
0x25: {  	[simem:s6], [sflag:s4] =	dma.local [hbm:s3], $0xF7A  }
0x26: {  	[smem:$0x3F9F] =	sst s1;
	(tag) =	ssettag s2;
	_ =	strace s9  }
0x27: {  	s1 =	sld [smem:$0x3FAF]  }
0x28: {  	s2 =	sld [smem:$0x3FB0]  }
0x29: {  	s4 =	sld [smem:$0x3FB2]  }
0x2a: {  	p0 =	seq.s32 s5, $0x0;
	s5 =	sld [smem:$0x3FB3]  }
0x2b: {  	s6 =	sld [smem:$0x3FB4]  }
0x2c: {  	s7 =	sld [smem:$0x3FB5]  }
0x2d: {  	s3 =	simm.s32 $0x108;
	s8 =	sld [smem:$0x3FB6]  }
0x2e: {  	s3 =	simm.s32 @!p0 $0x1082;
	s9 =	sld [smem:$0x3FB7]  }
0x2f: {  	lr =	sadd.s32 s0, s3;
	s0 =	sld [smem:$0x3FAE]  }
0x30: {  	s3 =	sld [smem:$0x3FB1]  }
0x31: {  	[smem:$0x3FBA] =	sst s10  }
0x32: {  	s10 =	sld [smem:$0x3FB8];
	_ =	sdelay $0x3  }
0x33: {  	p0 =	seq.s32 s10, $0x1;
	s10 =	sld [smem:$0x3FBA];
	_ =	sdelay $0x3  }
0x34: {  	[smem:$0x3FBA] =	sst s10  }
0x35: {  	s10 =	sld [smem:$0x3FB9];
	_ =	sdelay $0x3  }
0x36: {  	p1 =	seq.s32 s10, $0x1;
	s10 =	sld [smem:$0x3FBA];
	_ =	sdelay $0x3  }
0x37: {  	[smem:$0x3FBA] =	sst s10  }
0x38: {  	s10 =	sld [smem:$0x3FBB]  }
0x39: {  	_ = 	snop;
	(pc) =	sbr.ind lr, $3  }
0x3a: {  	_ = 	snop  }
0x3b: {  	_ = 	snop  }
0x3c: {  	p2 =	seq.s32 s10, $0x1;
	s10 =	sld [smem:$0x3FBA]  }
0x3d: {  	_ =	shalt  }
0x3e: {  	_ =	shalt  }
0x3f: {  	_ =	shalt  }
0x40: {  	_ =	shalt  }
0x41: {  	_ =	shalt  }
0x42: {  	_ =	shalt  }
0x43: {  	_ =	shalt  }
0x44: {  	_ =	shalt  }
0x45: {  	_ =	shalt  }
0x46: {  	_ =	shalt  }
0x47: {  	_ =	shalt  }
0x48: {  	_ =	shalt  }
0x49: {  	_ =	shalt  }
0x4a: {  	_ =	shalt  }
0x4b: {  	_ =	shalt  }
0x4c: {  	_ =	shalt  }
0x4d: {  	_ =	shalt  }
0x4e: {  	_ =	shalt  }
0x4f: {  	_ =	shalt  }
0x50: {  	_ =	shalt  }
0x51: {  	_ =	shalt  }
0x52: {  	_ =	shalt  }
0x53: {  	_ =	shalt  }
0x54: {  	_ =	shalt  }
0x55: {  	_ =	shalt  }
0x56: {  	_ =	shalt  }
0x57: {  	_ =	shalt  }
0x58: {  	_ =	shalt  }
0x59: {  	_ =	shalt  }
0x5a: {  	_ =	shalt  }
0x5b: {  	_ =	shalt  }
0x5c: {  	_ =	shalt  }
0x5d: {  	_ =	shalt  }
0x5e: {  	_ =	shalt  }
0x5f: {  	_ =	shalt  }
0x60: {  	_ =	shalt  }
0x61: {  	_ =	shalt  }
0x62: {  	_ =	shalt  }
0x63: {  	_ =	shalt  }
0x64: {  	_ =	shalt  }
0x65: {  	_ =	shalt  }
0x66: {  	_ =	shalt  }
0x67: {  	_ =	shalt  }
0x68: {  	_ =	shalt  }
0x69: {  	_ =	shalt  }
0x6a: {  	_ =	shalt  }
0x6b: {  	_ =	shalt  }
0x6c: {  	_ =	shalt  }
0x6d: {  	_ =	shalt  }
0x6e: {  	_ =	shalt  }
0x6f: {  	_ =	shalt  }
0x70: {  	_ =	shalt  }
0x71: {  	_ =	shalt  }
0x72: {  	_ =	shalt  }
0x73: {  	_ =	shalt  }
0x74: {  	_ =	shalt  }
0x75: {  	_ =	shalt  }
0x76: {  	_ =	shalt  }
0x77: {  	_ =	shalt  }
0x78: {  	_ =	shalt  }
0x79: {  	_ =	shalt  }
0x7a: {  	_ =	shalt  }
0x7b: {  	_ =	shalt  }
0x7c: {  	_ =	shalt  }
0x7d: {  	_ =	shalt  }
0x7e: {  	_ =	shalt  }
0x7f: {  	_ =	shalt  }
0x80: {  	_ =	shalt  }
0x81: {  	_ =	shalt  }
0x82: {  	_ =	shalt  }
0x83: {  	_ =	shalt  }
0x84: {  	_ =	shalt  }
0x85: {  	_ =	shalt  }
0x86: {  	_ =	shalt  }
0x87: {  	_ =	shalt  }
.Lfunc_end0:
.L_simem_size_0:
called_computation.1_lowered:
.L_overlay_start_0:
0x88: {  	s2 =	sld [smem:$0x3FD9]  }
0x89: {  	s3 =	sld [smem:$0x3FFE];
	_ =	sdelay $0x1  }
0x8a: {  	s1 =	srdreg.scid  }
0x8b: {  	s0 =	sand.u32 $0x1, s1  }
0x8c: {  	s17 =	sshll.u32 s0, $0xA;
	s2 =	sadd.s32 s3, s2  }
0x8d: {  	s2 =	sadd.s32 s2, s17  }
0x8e: {  	[smem:$0x3FC6] =	sst s2  }
0x8f: {  	_ = 	snop  }
0x90: {  	s2 =	sld [smem:$0x3FD0];
	(tm) =	ssettm $0x1  }
0x91: {  	s18 =	sld [smem:$0x3FFB];
	_ =	sdelay $0x3  }
0x92: {  	_ =	strace s18  }
0x93: {  	s3 =	sld [smem:$0x3FFC];
	_ =	sdelay $0x3  }
0x94: {  	_ =	strace s3  }
0x95: {  	s3 =	sld [smem:$0x3FFD];
	_ =	sdelay $0x3  }
0x96: {  	_ =	strace s3  }
0x97: {  	_ =	strace $0x8FFFFFFF  }
0x98: {  	s19 =	sld [smem:$0x3FDB];
	_ =	sdelay $0x1  }
0x99: {  	s4 =	simm.s32 $_scs_section_size  }
0x9a: {  	s5 =	simm.s32 $_size__tile_overlayer_lowered;
	s6 =	simm.s32 $_tile_overlayer_lowered  }
0x9b: {  	s22 =	simm.s32 $0x1BFF;
	s21 =	sshll.u32 s6, $0x1;
	s3 =	sadd.s32 s4, s19  }
0x9c: {  	s7 =	simm.s32 $0x0;
	s20 =	sshll.u32 s5, $0x1;
	s5 =	sadd.s32 s21, s3  }
0x9d: {  	[timem:s7], [sflag:s22] =	dma.local [hbm:s5], s20  }
0x9e: {  	_ =	swait.ge [sflag:s22], s20  }
0x9f: {  	s4 =	ssub.s32 $0x0, s20;
	[sflag:s22] =	ssyncset.done $0x0  }
0xa0: {  	[sflag:s22] =	ssyncadd.s32 s4;
	_ =	sdelay $0x1  }
0xa1: {  	s23 =	simm.s32 $0x1B8B  }
0xa2: {  	_ =	swait.ge [sflag:s23], $0x1  }
0xa3: {  	[sflag:s23] =	ssyncset.done $0x0  }
0xa4: {  	s25 =	simm.s32 $0x1B8E;
	s24 =	sld [smem:$0x3FFE];
	[sflag:s23] =	ssyncadd.s32 $0xFFFFFFFF  }
0xa5: {  	s26 =	simm.s32 $execute0_lowered;
	[smem:$0x3FD2] =	sst s25  }
0xa6: {  	s5 =	sshll.u32 s26, $0x1;
	_ =	strace $0x80000046;
	[dreg:$0x1] =	wrdreg $0xFFFFFFFF  }
0xa7: {  	s28 =	simm.s32 $_size_execute0_lowered;
	s3 =	sadd.s32 s3, s5;
	[dreg:$0x0] =	wrdreg $0x0  }
0xa8: {  	s5 =	sshll.u32 s28, $0x1;
	[dreg:$0x2] =	wrdreg s3  }
0xa9: {  	[dreg:$0x3] =	wrdreg s5  }
0xaa: {  	[dreg:$0x4] =	wrdreg $0xC0  }
0xab: {  	_ =	task [dreg:s7], $0x5FFFF  }
0xac: {  	[dreg:$0x1] =	wrdreg $0xFFFFFFFF  }
0xad: {  	[dreg:$0x0] =	wrdreg $0x60  }
0xae: {  	[dreg:$0x2] =	wrdreg s24  }
0xaf: {  	[dreg:$0x3] =	wrdreg s2  }
0xb0: {  	[dreg:$0x4] =	wrdreg $0x9  }
0xb1: {  	_ =	task.clear_ibuf [dreg:s7], $0x5FFFF;
	_ =	strace $0x90000046  }
0xb2: {  	s29 =	simm.s32 $0x9;
	_ =	strace $0x80000048  }
0xb3: {  	_ =	swait.ge [sflag:s29], $0x1  }
0xb4: {  	[sflag:s29] =	ssyncadd.s32 $0xFFFFFFFF  }
0xb5: {  	_ =	strace $0x90000048  }
0xb6: {  	_ =	sfence  }
0xb7: {  	s30 =	sld [smem:$0x0];
	_ =	sdelay $0x2  }
0xb8: {  	s31 =	sshll.u32 s1, $0xD;
	s1 =	sshrl.u32 s1, $0x2  }
0xb9: {  	s3 =	sand.u32 $0x4000, s31;
	s1 =	sadd.s32 s1, s30  }
0xba: {  	s0 =	sor.u32 s3, s0;
	s1 =	sshll.u32 s1, $0x11  }
0xbb: {  	s0 =	sor.u32 s1, s0  }
0xbc: {  	s0 =	sadd.s32 $0x8F2B, s0  }
0xbd: {  	[sflag:s0] =	ssyncadd.remote.s32 $0x1  }
0xbe: {  	_ =	sfence.sel $0xFFFF  }
0xbf: {  	[dreg:$0x0] =	wrdreg $0xFFFFFFFF;
	(pc) =	sbr.abs _section_cstart, $3  }
0xc0: {  	[dreg:$0x1] =	wrdreg $0xFFFFFFFF  }
0xc1: {  	_ =	task.clear_ibuf [dreg:s7], $0x2FFFF;
	_ =	strace $0x9FFFFFFF  }
0xc2: {  	(tm) =	ssettm $0x7FFFFFFF  }
0xc3: {  	_ =	shalt  }
tec
execute0_lowered:
.L_overlay_start_1:
0x0: {  	(tag) =	ssettag $0x1  }
0x1: {  	s0 =	srdreg.scid  }
0x2: {  	s1 =	rddreg [dreg:$0x0];
	s3 =	stileid.u32  }
0x3: {  	s2 =	rddreg [dreg:$0x1];
	s12 =	simm.s32 $0x190;
	s14 =	simm.s32 $0x80  }
0x4: {  	s15 =	simm.s32 $0x320;
	s19 =	simm.s32 $0x10;
	s22 =	simm.s32 $0x2  }
0x5: {  	s23 =	simm.s32 $0x6720;
	s24 =	simm.s32 $0x210;
	s25 =	simm.s32 $0x8720  }
0x6: {  	s28 =	simm.s32 $0xA720;
	s29 =	simm.s32 $0x310;
	s30 =	simm.s32 $0xC720  }
0x7: {  	s31 =	simm.s32 $0x3;
	s16 =	simm.s32 $0x6;
	s17 =	simm.s32 $0x0  }
0x8: {  	s0 =	sand.u32 $0x1, s0;
	s4 =	sshll.u32 s3, $0x7;
	s3 =	simm.s32 $0x0  }
0x9: {  	s6 =	sadd.s32 $0xF42E00, s1;
	s5 =	sshll.u32 s0, $0x6;
	s0 =	ssub.s32 $0x2, s0  }
0xa: {  	[smem:$0x7FF] =	sst s3;
	s4 =	sor.u32 s5, s4;
	s8 =	sshrl.u32 s0, $0x1  }
0xb: {  	_ =	strace $0x80000047;
	s7 =	smul.u32 $0x32, s4;
	s0 =	ssub.s32 s0, s8  }
0xc: {  	s5 =	sadd.s32 $0xA00, s1;
	s9 =	sor.u32 $0x2, s4;
	s0 =	smax.u32 s0, $0x1  }
0xd: {  	s10 =	sor.u32 $0x3, s4;
	s26 =	sadd.s32 s5, s7;
	[dreg:$0x5] =	wrdreg s0  }
0xe: {  	s0 =	simm.s32 $0x5;
	[dreg:$0x3] =	wrdreg s26;
	s1 =	sadd.s32 $0x32, s26  }
0xf: {  	s26 =	simm.s32 $0x290;
	[dreg:$0x4] =	wrdreg s1;
	s1 =	simm.s32 $0x4  }
.LBB2_1:
0x10: {  	s7 =	rddreg [dreg:$0x3]  }
0x11: {  	[tilespmem:s3], [sflag:$0x1] =	stream.linear.gather [hbm4b:s7+s3], $0x190, $0x38;
	[tilespmem:$0xCB20] =	vst v63  }
0x12: {  	s8 =	rddreg [dreg:$0x4];
	s11 =	simm.s32 $0x1  }
0x13: {  	[tilespmem:s12], [sflag:$0x2] =	stream.linear.gather [hbm4b:s8+s3], $0x190, $0x38;
	[tilespmem:$0xCB20] =	vst v63  }
0x14: {  	_ =	swait.ge [sflag:s11], $0x190  }
0x15: {  	[sflag:s11] =	ssyncset.done $0x0  }
0x16: {  	[sflag:s11] =	ssyncadd.s32 $0xFFFFFE70  }
0x17: {  	[tilespmem:s15], [sflag:$0x3] =	stream.indirect.gather [hbm4b:s6+s14], $0x40, s3, s14, $0xb8;
	[tilespmem:$0xCB20] =	vst v63  }
0x18: {  	s13 =	simm.s32 $0x2320  }
0x19: {  	[tilespmem:s13], [sflag:$0x3] =	stream.indirect.gather [hbm4b:s6+s14], $0x40, s14, s14, $0xb8;
	[tilespmem:$0xCB20] =	vst v63  }
0x1a: {  	s18 =	simm.s32 $0x100;
	s8 =	simm.s32 $0x4320  }
0x1b: {  	[tilespmem:s8], [sflag:$0x3] =	stream.indirect.gather [hbm4b:s6+s14], $0x40, s18, s14, $0xb8;
	[tilespmem:$0xCB20] =	vst v63  }
0x1c: {  	s20 =	simm.s32 $0x180;
	s21 =	simm.s32 $0x6320;
	s18 =	simm.s32 $0x0  }
0x1d: {  	[tilespmem:s21], [sflag:$0x3] =	stream.indirect.gather [hbm4b:s6+s19], $0x40, s20, s19, $0xb8;
	[tilespmem:$0xCB20] =	vst v63  }
.LBB2_2:
0x1e: {  	_ =	swait.ge [sflag:s22], $0x190  }
0x1f: {  	p0 =	seq.s32 s18, $0x0;
	[sflag:s22] =	ssyncset.done $0x0  }
0x20: {  	s7 =	simm.s32 @!p0 $0x6;
	[sflag:s22] =	ssyncadd.s32 $0xFFFFFE70  }
0x21: {  	_ =	swait.ge @!p0 [sflag:s7], $0x6400  }
0x22: {  	[sflag:s7] =	ssyncset.done @!p0 $0x0  }
0x23: {  	[sflag:s7] =	ssyncadd.s32 @!p0 $0xFFFF9C00  }
0x24: {  	[tilespmem:s23], [sflag:$0x4] =	stream.indirect.gather [hbm4b:s6+s14], $0x40, s12, s14, $0xb8;
	[tilespmem:$0xCB20] =	vst v63  }
0x25: {  	_ = 	snop  }
0x26: {  	[tilespmem:s25], [sflag:$0x4] =	stream.indirect.gather [hbm4b:s6+s14], $0x40, s24, s14, $0xb8;
	[tilespmem:$0xCB20] =	vst v63  }
0x27: {  	_ = 	snop  }
0x28: {  	[tilespmem:s28], [sflag:$0x4] =	stream.indirect.gather [hbm4b:s6+s14], $0x40, s26, s14, $0xb8;
	[tilespmem:$0xCB20] =	vst v63  }
0x29: {  	_ = 	snop  }
0x2a: {  	[tilespmem:s30], [sflag:$0x4] =	stream.indirect.gather [hbm4b:s6+s19], $0x40, s29, s19, $0xb8;
	[tilespmem:$0xCB20] =	vst v63  }
0x2b: {  	_ =	swait.ge [sflag:s31], $0x2000  }
0x2c: {  	[sflag:s31] =	ssyncset.done $0x0  }
0x2d: {  	[sflag:s31] =	ssyncadd.s32 $0xFFFFE000  }
0x2e: {  	_ =	swait.ge [sflag:s31], $0x2000  }
0x2f: {  	[sflag:s31] =	ssyncset.done $0x0  }
0x30: {  	[sflag:s31] =	ssyncadd.s32 $0xFFFFE000  }
0x31: {  	_ =	swait.ge [sflag:s31], $0x2000  }
0x32: {  	s21 =	sshll.u32 s18, $0x1;
	p0 =	seq.s32 s18, $0x1F;
	[sflag:s31] =	ssyncset.done $0x0  }
0x33: {  	s7 =	sadd.s32 @!p0 s21, s9;
	[sflag:s31] =	ssyncadd.s32 $0xFFFFE000  }
0x34: {  	s7 =	smul.u32 @!p0 $0x32, s7;
	_ =	swait.ge [sflag:s31], $0x400  }
0x35: {  	[sflag:s31] =	ssyncset.done $0x0  }
0x36: {  	s8 =	simm.s32 @!p0 $0x0;
	s7 =	sadd.s32 @!p0 s5, s7;
	[sflag:s31] =	ssyncadd.s32 $0xFFFFFC00  }
0x37: {  	[tilespmem:s8], [sflag:$0x1] =	stream.linear.gather @!p0 [hbm4b:s7+s8], $0x190, $0x38;
	[tilespmem:$0xCB20] =	vst v63  }
0x38: {  	s8 =	simm.s32 $0x360  }
0x39: {  	v1 =	vld [tilespmem:s8+$0xFFFFFFC0];
	_ =	sdelay $0x1  }
0x3a: {  	v4 =	vld [tilespmem:s8+$0xFFFFFFD0]  }
0x3b: {  	v6 =	vld [tilespmem:s8+$0xFFFFFFE0]  }
0x3c: {  	v2 =	vld [tilespmem:s8+$0x0]  }
0x3d: {  	v0 =	vld [tilespmem:s8+$0x10];
	v5 =	vmul.f32 $8.000000000e+00, v1  }
0x3e: {  	v3 =	vld [tilespmem:s8+$0x20]  }
0x3f: {  	v1 =	vld [tilespmem:s8+$0x30];
	[tilespmem:s8+$0xFFFFFFC0] =	vst v5;
	v5 =	vmul.f32 $8.000000000e+00, v4  }
0x40: {  	s20 =	sshllo.u32 s18, $0x1;
	s11 =	simm.s32 $0x0;
	s7 =	simm.s32 $0x3E0;
	v6 =	vmul.f32 $8.000000000e+00, v6;
	v4 =	vld [tilespmem:s8+$0xFFFFFFF0]  }
.LBB2_3:
0x41: {  	v7 =	vld [tilespmem:s7+$0xFFFFFFC0];
	[tilespmem:s8+$0xFFFFFFD0] =	vst v5;
	v2 =	vmul.f32 $8.000000000e+00, v2  }
0x42: {  	s11 =	sadd.s32 $0x8, s11;
	v5 =	vld [tilespmem:s7+$0xFFFFFFD0];
	[tilespmem:s8+$0xFFFFFFE0] =	vst v6;
	v0 =	vmul.f32 $8.000000000e+00, v0  }
0x43: {  	p1 =	slt.u32 s11, $0x638;
	v6 =	vld [tilespmem:s7+$0xFFFFFFE0];
	[tilespmem:s8+$0x0] =	vst v2;
	v3 =	vmul.f32 $8.000000000e+00, v3  }
.Ltmp0:
0x44: {  	v2 =	vld [tilespmem:s7+$0x0];
	[tilespmem:s8+$0x10] =	vst v0;
	v1 =	vmul.f32 $8.000000000e+00, v1;
	(pc) =	sbr.rel @p1 .LBB2_3-.Ltmp0, $4  }
0x45: {  	v0 =	vld [tilespmem:s7+$0x10];
	v4 =	vmul.f32 $8.000000000e+00, v4;
	[tilespmem:s8+$0x20] =	vst v3  }
0x46: {  	v7 =	vmul.f32 $8.000000000e+00, v7;
	v3 =	vld [tilespmem:s7+$0x20];
	[tilespmem:s8+$0x30] =	vst v1  }
0x47: {  	v5 =	vmul.f32 $8.000000000e+00, v5;
	v1 =	vld [tilespmem:s7+$0x30];
	[tilespmem:s8+$0xFFFFFFF0] =	vst v4;
	s8 =	smov.u32 s7  }
0x48: {  	s7 =	sadd.s32 $0x80, s7;
	[tilespmem:s8+$0xFFFFFFC0] =	vst v7;
	v6 =	vmul.f32 $8.000000000e+00, v6;
	v4 =	vld [tilespmem:s8+$0xFFFFFFF0]  }
0x49: {  	[tilespmem:s8+$0xFFFFFFD0] =	vst v5;
	v2 =	vmul.f32 $8.000000000e+00, v2  }
0x4a: {  	[tilespmem:s8+$0xFFFFFFE0] =	vst v6;
	v0 =	vmul.f32 $8.000000000e+00, v0  }
0x4b: {  	[tilespmem:s8+$0x0] =	vst v2;
	v2 =	vmul.f32 $8.000000000e+00, v3  }
0x4c: {  	s7 =	sadd.s32 s4, s21;
	[tilespmem:s8+$0x10] =	vst v0;
	v0 =	vmul.f32 $8.000000000e+00, v1  }
0x4d: {  	s7 =	smul.u32 $0xC80, s7;
	v1 =	vmul.f32 $8.000000000e+00, v4;
	[tilespmem:s8+$0x20] =	vst v2  }
0x4e: {  	[tilespmem:s8+$0x30] =	vst v0  }
0x4f: {  	s7 =	sadd.s32 s2, s7;
	[tilespmem:s8+$0xFFFFFFF0] =	vst v1  }
0x50: {  	[hbm4b:s7+s3] =	stream.linear.scatter [tilespmem:s15], [sflag:$0x5], $0x6400, $0x38;
	[tilespmem:$0xCB20] =	vst v63  }
0x51: {  	s7 =	simm.s32 @!p0 $0x1  }
0x52: {  	_ =	swait.ge @!p0 [sflag:s7], $0x190  }
0x53: {  	[sflag:s7] =	ssyncset.done @!p0 $0x0  }
0x54: {  	[sflag:s7] =	ssyncadd.s32 @!p0 $0xFFFFFE70;
	s7 =	simm.s32 @!p0 $0x5  }
0x55: {  	_ =	swait.ge @!p0 [sflag:s7], $0x6400  }
0x56: {  	s11 =	simm.s32 @!p0 $0x320;
	[sflag:s7] =	ssyncset.done @!p0 $0x0  }
0x57: {  	s8 =	simm.s32 @!p0 $0x0;
	[sflag:s7] =	ssyncadd.s32 @!p0 $0xFFFF9C00;
	s7 =	simm.s32 @!p0 $0x80  }
0x58: {  	[tilespmem:s11], [sflag:$0x3] =	stream.indirect.gather @!p0 [hbm4b:s6+s7], $0x40, s8, s7, $0xb8;
	[tilespmem:$0xCB20] =	vst v63  }
0x59: {  	s11 =	simm.s32 @!p0 $0x2320  }
0x5a: {  	[tilespmem:s11], [sflag:$0x3] =	stream.indirect.gather @!p0 [hbm4b:s6+s7], $0x40, s7, s7, $0xb8;
	[tilespmem:$0xCB20] =	vst v63  }
0x5b: {  	s13 =	simm.s32 @!p0 $0x4320;
	s11 =	simm.s32 @!p0 $0x100  }
0x5c: {  	[tilespmem:s13], [sflag:$0x3] =	stream.indirect.gather @!p0 [hbm4b:s6+s7], $0x40, s11, s7, $0xb8;
	[tilespmem:$0xCB20] =	vst v63  }
0x5d: {  	s7 =	simm.s32 @!p0 $0x10;
	s11 =	simm.s32 @!p0 $0x180;
	s13 =	simm.s32 @!p0 $0x6320  }
0x5e: {  	[tilespmem:s13], [sflag:$0x3] =	stream.indirect.gather @!p0 [hbm4b:s6+s7], $0x40, s11, s7, $0xb8;
	[tilespmem:$0xCB20] =	vst v63  }
0x5f: {  	_ =	swait.ge [sflag:s1], $0x2000  }
0x60: {  	[sflag:s1] =	ssyncset.done $0x0  }
0x61: {  	[sflag:s1] =	ssyncadd.s32 $0xFFFFE000  }
0x62: {  	_ =	swait.ge [sflag:s1], $0x2000  }
0x63: {  	[sflag:s1] =	ssyncset.done $0x0  }
0x64: {  	[sflag:s1] =	ssyncadd.s32 $0xFFFFE000  }
0x65: {  	_ =	swait.ge [sflag:s1], $0x2000  }
0x66: {  	[sflag:s1] =	ssyncset.done $0x0  }
0x67: {  	s7 =	sadd.s32 @!p0 s21, s10;
	[sflag:s1] =	ssyncadd.s32 $0xFFFFE000  }
0x68: {  	s7 =	smul.u32 @!p0 $0x32, s7;
	_ =	swait.ge [sflag:s1], $0x400  }
0x69: {  	[sflag:s1] =	ssyncset.done $0x0  }
0x6a: {  	s11 =	simm.s32 @!p0 $0x190;
	s7 =	sadd.s32 @!p0 s5, s7;
	[sflag:s1] =	ssyncadd.s32 $0xFFFFFC00  }
0x6b: {  	[tilespmem:s11], [sflag:$0x2] =	stream.linear.gather @!p0 [hbm4b:s7+s8], $0x190, $0x38;
	[tilespmem:$0xCB20] =	vst v63  }
0x6c: {  	s8 =	simm.s32 $0x6790  }
0x6d: {  	v1 =	vld [tilespmem:s8+$0xFFFFFF90]  }
0x6e: {  	v4 =	vld [tilespmem:s8+$0xFFFFFFA0]  }
0x6f: {  	v6 =	vld [tilespmem:s8+$0xFFFFFFB0]  }
0x70: {  	v2 =	vld [tilespmem:s8+$0xFFFFFFC0]  }
0x71: {  	v0 =	vld [tilespmem:s8+$0xFFFFFFD0]  }
0x72: {  	v3 =	vld [tilespmem:s8+$0xFFFFFFE0];
	v7 =	vmul.f32 $8.000000000e+00, v1  }
0x73: {  	v1 =	vld [tilespmem:s8+$0x0];
	v5 =	vmul.f32 $8.000000000e+00, v4  }
0x74: {  	s21 =	simm.s32 $0x0;
	s7 =	simm.s32 $0x6810;
	v6 =	vmul.f32 $8.000000000e+00, v6;
	v4 =	vld [tilespmem:s8+$0xFFFFFFF0];
	[tilespmem:s8+$0xFFFFFF90] =	vst v7  }
.LBB2_5:
0x75: {  	v7 =	vld [tilespmem:s7+$0xFFFFFF90];
	[tilespmem:s8+$0xFFFFFFA0] =	vst v5;
	v2 =	vmul.f32 $8.000000000e+00, v2  }
0x76: {  	s21 =	sadd.s32 $0x8, s21;
	v5 =	vld [tilespmem:s7+$0xFFFFFFA0];
	[tilespmem:s8+$0xFFFFFFB0] =	vst v6;
	v0 =	vmul.f32 $8.000000000e+00, v0  }
0x77: {  	p0 =	slt.u32 s21, $0x638;
	v6 =	vld [tilespmem:s7+$0xFFFFFFB0];
	[tilespmem:s8+$0xFFFFFFC0] =	vst v2;
	v3 =	vmul.f32 $8.000000000e+00, v3  }
.Ltmp1:
0x78: {  	v2 =	vld [tilespmem:s7+$0xFFFFFFC0];
	[tilespmem:s8+$0xFFFFFFD0] =	vst v0;
	v1 =	vmul.f32 $8.000000000e+00, v1;
	(pc) =	sbr.rel @p0 .LBB2_5-.Ltmp1, $4  }
0x79: {  	v0 =	vld [tilespmem:s7+$0xFFFFFFD0];
	[tilespmem:s8+$0xFFFFFFE0] =	vst v3;
	v4 =	vmul.f32 $8.000000000e+00, v4  }
0x7a: {  	v7 =	vmul.f32 $8.000000000e+00, v7;
	v3 =	vld [tilespmem:s7+$0xFFFFFFE0];
	[tilespmem:s8+$0x0] =	vst v1  }
0x7b: {  	v5 =	vmul.f32 $8.000000000e+00, v5;
	v1 =	vld [tilespmem:s7+$0x0];
	[tilespmem:s8+$0xFFFFFFF0] =	vst v4;
	s8 =	smov.u32 s7  }
0x7c: {  	s7 =	sadd.s32 $0x80, s7;
	[tilespmem:s8+$0xFFFFFF90] =	vst v7;
	v6 =	vmul.f32 $8.000000000e+00, v6;
	v4 =	vld [tilespmem:s8+$0xFFFFFFF0]  }
0x7d: {  	[tilespmem:s8+$0xFFFFFFA0] =	vst v5;
	v2 =	vmul.f32 $8.000000000e+00, v2  }
0x7e: {  	s18 =	sadd.s32 $0x1, s18;
	[tilespmem:s8+$0xFFFFFFB0] =	vst v6;
	v0 =	vmul.f32 $8.000000000e+00, v0  }
0x7f: {  	p0 =	sne.s32 s18, $0x20;
	[tilespmem:s8+$0xFFFFFFC0] =	vst v2;
	v61 =	vmul.f32 $8.000000000e+00, v3  }
.Ltmp2:
0x80: {  	s7 =	sadd.s32 s4, s20;
	[tilespmem:s8+$0xFFFFFFD0] =	vst v0;
	v62 =	vmul.f32 $8.000000000e+00, v1;
	(pc) =	sbr.rel @p0 .LBB2_2-.Ltmp2, $4  }
0x81: {  	s7 =	smul.u32 $0xC80, s7;
	[tilespmem:s8+$0xFFFFFFE0] =	vst v61;
	v63 =	vmul.f32 $8.000000000e+00, v4  }
0x82: {  	[tilespmem:s8+$0x0] =	vst v62  }
0x83: {  	s7 =	sadd.s32 s2, s7;
	[tilespmem:s8+$0xFFFFFFF0] =	vst v63  }
0x84: {  	[hbm4b:s7+s3] =	stream.linear.scatter [tilespmem:s23], [sflag:$0x6], $0x6400, $0x38;
	[tilespmem:$0xCB20] =	vst v63  }
0x85: {  	_ =	swait.ge [sflag:s0], $0x6400  }
0x86: {  	[sflag:s0] =	ssyncset.done $0x0  }
0x87: {  	[sflag:s0] =	ssyncadd.s32 $0xFFFF9C00  }
0x88: {  	_ =	swait.ge [sflag:s16], $0x6400  }
0x89: {  	s17 =	sadd.s32 $0x1, s17;
	s7 =	rddreg [dreg:$0x5]  }
0x8a: {  	p0 =	sne.s32 s17, s7  }
.Ltmp3:
0x8b: {  	_ = 	snop;
	(pc) =	sbr.rel @p0 .LBB2_1-.Ltmp3, $3  }
0x8c: {  	_ =	sdelay $0x1  }
0x8d: {  	[sflag:s16] =	ssyncset.done $0x0  }
0x8e: {  	[sflag:s16] =	ssyncadd.s32 $0xFFFF9C00  }
0x8f: {  	_ =	sfence.sel $0x180000  }
0x90: {  	[bflag:$0x0] =	sbarrier.arrive $0xFFFF  }
0x91: {  	_ =	strace $0x90000047  }
0x92: {  	s0 =	stileid.u32;
	[bflag:$0x2] =	sbarrier.arrive $0xFFFF  }
0x93: {  	p0 =	sne.s32 s0, $0x0;
	s0 =	rddreg [dreg:$0x2]  }
0x94: {  	s0 =	sadd.s32 @!p0 $0x100000, s0  }
0x95: {  	[sflag:s0] =	ssyncadd.tile.s32 @!p0 $0x1;
	_ =	shalt  }
.Lfunc_end2:
_tile_overlayer_lowered:
.L_overlay_start_2:
0x96: {  	(tag) =	ssettag $0x2  }
0x97: {  	s0 =	rddreg [dreg:$0x0];
	s2 =	stileid.u32  }
0x98: {  	s1 =	rddreg [dreg:$0x1];
	p0 =	sne.s32 s2, $0x0  }
0x99: {  	s3 =	rddreg [dreg:$0x2];
	[bflag:$0x3] =	sbarrier.arrive $0xFFFF;
	s2 =	simm.s32 @!p0 $0x1C07  }
0x9a: {  	[timem:s3], [sflag:s2] =	dma.local @!p0 [hbm:s0], s1  }
0x9b: {  	s0 =	simm.s32 @!p0 $0x7  }
0x9c: {  	_ =	swait.ge @!p0 [sflag:s0], s1  }
0x9d: {  	s1 =	ssub.s32 @!p0 $0x0, s1;
	[sflag:s0] =	ssyncset.done @!p0 $0x0  }
0x9e: {  	[sflag:s0] =	ssyncadd.s32 @!p0 s1  }
0x9f: {  	[bflag:$0x3] =	sbarrier.arrive $0xFFFF  }
0xa0: {  	_ =	shalt  }

// kernel: sparse-core-data-format-call.cloned.1.call-start
scs
called_computation_lowered:
.L_overlay_start_0:
0x0: {  	s2 =	sld [smem:$0x3FD9]  }
0x1: {  	s3 =	sld [smem:$0x3FFE];
	_ =	sdelay $0x1  }
0x2: {  	s1 =	srdreg.scid  }
0x3: {  	s0 =	sand.u32 $0x1, s1  }
0x4: {  	s18 =	sshll.u32 s0, $0xA;
	s2 =	sadd.s32 s3, s2  }
0x5: {  	s2 =	sadd.s32 s2, s18  }
0x6: {  	[smem:$0x3FC6] =	sst s2  }
0x7: {  	_ = 	snop  }
0x8: {  	s2 =	sld [smem:$0x3FD0];
	(tm) =	ssettm $0x1  }
0x9: {  	s19 =	sld [smem:$0x3FFB];
	_ =	sdelay $0x3  }
0xa: {  	_ =	strace s19  }
0xb: {  	s3 =	sld [smem:$0x3FFC];
	_ =	sdelay $0x3  }
0xc: {  	_ =	strace s3  }
0xd: {  	s3 =	sld [smem:$0x3FFD];
	_ =	sdelay $0x3  }
0xe: {  	_ =	strace s3  }
0xf: {  	_ =	strace $0x8FFFFFFF  }
0x10: {  	s20 =	sld [smem:$0x3FDB];
	_ =	sdelay $0x1  }
0x11: {  	s4 =	simm.s32 $_scs_section_size  }
0x12: {  	s5 =	simm.s32 $_size__tile_overlayer_lowered;
	s6 =	simm.s32 $_tile_overlayer_lowered  }
0x13: {  	s23 =	simm.s32 $0x1BFF;
	s22 =	sshll.u32 s6, $0x1;
	s3 =	sadd.s32 s4, s20  }
0x14: {  	s7 =	simm.s32 $0x0;
	s21 =	sshll.u32 s5, $0x1;
	s5 =	sadd.s32 s22, s3  }
0x15: {  	[timem:s7], [sflag:s23] =	dma.local [hbm:s5], s21  }
0x16: {  	_ =	swait.ge [sflag:s23], s21  }
0x17: {  	s4 =	ssub.s32 $0x0, s21;
	[sflag:s23] =	ssyncset.done $0x0  }
0x18: {  	[sflag:s23] =	ssyncadd.s32 s4;
	_ =	sdelay $0x1  }
0x19: {  	s24 =	simm.s32 $0x1B8B  }
0x1a: {  	_ =	swait.ge [sflag:s24], $0x1  }
0x1b: {  	[sflag:s24] =	ssyncset.done $0x0  }
0x1c: {  	s26 =	simm.s32 $0x1B8E;
	s25 =	sld [smem:$0x3FFE];
	[sflag:s24] =	ssyncadd.s32 $0xFFFFFFFF  }
0x1d: {  	s27 =	simm.s32 $execute0_lowered;
	[smem:$0x3FD2] =	sst s26  }
0x1e: {  	s5 =	sshll.u32 s27, $0x1;
	_ =	strace $0x80000049;
	[dreg:$0x1] =	wrdreg $0xFFFFFFFF  }
0x1f: {  	s28 =	simm.s32 $_size_execute0_lowered;
	s3 =	sadd.s32 s3, s5;
	[dreg:$0x0] =	wrdreg $0x0  }
0x20: {  	s5 =	sshll.u32 s28, $0x1;
	[dreg:$0x2] =	wrdreg s3  }
0x21: {  	[dreg:$0x3] =	wrdreg s5  }
0x22: {  	[dreg:$0x4] =	wrdreg $0xC0  }
0x23: {  	_ =	task [dreg:s7], $0x5FFFF  }
0x24: {  	[dreg:$0x1] =	wrdreg $0xFFFFFFFF  }
0x25: {  	[dreg:$0x0] =	wrdreg $0x60  }
0x26: {  	[dreg:$0x2] =	wrdreg s25  }
0x27: {  	[dreg:$0x3] =	wrdreg s2  }
0x28: {  	[dreg:$0x4] =	wrdreg $0x9  }
0x29: {  	_ =	task.clear_ibuf [dreg:s7], $0x5FFFF;
	_ =	strace $0x90000049  }
0x2a: {  	s29 =	simm.s32 $0x9;
	_ =	strace $0x8000004B  }
0x2b: {  	_ =	swait.ge [sflag:s29], $0x1  }
0x2c: {  	[sflag:s29] =	ssyncadd.s32 $0xFFFFFFFF  }
0x2d: {  	_ =	strace $0x9000004B  }
0x2e: {  	_ =	sfence  }
0x2f: {  	s30 =	sld [smem:$0x0];
	_ =	sdelay $0x2  }
0x30: {  	s31 =	sshll.u32 s1, $0xD;
	s1 =	sshrl.u32 s1, $0x2  }
0x31: {  	s3 =	sand.u32 $0x4000, s31;
	s1 =	sadd.s32 s1, s30  }
0x32: {  	s0 =	sor.u32 s3, s0;
	s1 =	sshll.u32 s1, $0x11  }
0x33: {  	s0 =	sor.u32 s1, s0  }
0x34: {  	s0 =	sadd.s32 $0x8F2B, s0  }
0x35: {  	[sflag:s0] =	ssyncadd.remote.s32 $0x1  }
0x36: {  	_ =	sfence.sel $0xFFFF  }
0x37: {  	[dreg:$0x0] =	wrdreg $0xFFFFFFFF;
	(pc) =	sbr.abs _section_cstart, $3  }
0x38: {  	[dreg:$0x1] =	wrdreg $0xFFFFFFFF  }
0x39: {  	_ =	task.clear_ibuf [dreg:s7], $0x2FFFF;
	_ =	strace $0x9FFFFFFF  }
0x3a: {  	(tm) =	ssettm $0x7FFFFFFF  }
0x3b: {  	_ =	shalt  }
tec
execute0_lowered:
.L_overlay_start_1:
0x0: {  	(tag) =	ssettag $0x1  }
0x1: {  	s0 =	srdreg.scid  }
0x2: {  	s1 =	sshll.u32 s0, $0x4  }
0x3: {  	s0 =	stileid.u32;
	s1 =	sand.u32 $0x10, s1  }
0x4: {  	s1 =	sor.u32 s0, s1  }
0x5: {  	s6 =	rddreg [dreg:$0x0];
	s4 =	simm.s32 $0x1;
	s2 =	sshll.u32 s1, $0x7  }
0x6: {  	s7 =	simm.s32 $0x2;
	s12 =	simm.s32 $0x0;
	s1 =	ssub.s32 $0x4000, s2  }
0x7: {  	s8 =	simm.s32 $0x20000;
	s13 =	simm.s32 $0x0;
	s3 =	sand.u32 $0xF80, s1  }
0x8: {  	s9 =	simm.s32 $0x0;
	s5 =	sshrl.u32 s1, $0xC;
	p0 =	sne.s32 s3, $0x0  }
.Ltmp0:
0x9: {  	s1 =	rddreg [dreg:$0x2];
	s4 =	simm.s32 @!p0 $0x0;
	(pc) =	sbr.rel .LBB1_1-.Ltmp0, $4  }
0xa: {  	s11 =	simm.s32 $0x0;
	s3 =	rddreg [dreg:$0x1];
	s5 =	sadd.s32 s4, s5  }
0xb: {  	_ =	strace $0x8000004A;
	s4 =	simm.s32 $0x1;
	s5 =	smul.u32 $0x32, s5  }
0xc: {  	s6 =	sadd.s32 $0xA00, s6;
	s10 =	smov.u32 s2;
	[sflag:s4] =	ssyncpa.u1 $0x0  }
0xd: {  	p0 =	por $0x0, $0x0;
	[sflag:s7] =	ssyncpa.u1 $0x0;
	s7 =	sor.u32 $0x1, s5  }
.LBB1_4:
0xe: {  	s16 =	sshll.u32 s13, $0x3;
	s17 =	sand.u32 $0x78, s13  }
0xf: {  	s30 =	sand.u32 $0x1F800, s13;
	s12 =	sshll.u32 s12, $0x11;
	s16 =	sand.u32 $0x3C00, s16  }
0x10: {  	[tilespmem:s15+$0x810 ss:$0x81] =	vst.msk $0xffff, v2;
	s31 =	sand.u32 $0x7, s13;
	s16 =	sor.u32 s17, s16;
	s17 =	sadd.s32 s3, s30  }
0x11: {  	[tilespmem:s15+$0x1020 ss:$0x81] =	vst.msk $0xffff, v0;
	s13 =	sshll.u32 s31, $0x12;
	s12 =	sadd.s32 s12, s17;
	s16 =	sshrl.u32 s16, $0x3  }
0x12: {  	[tilespmem:s15+$0x0 ss:$0x81] =	vst.msk $0xffff, v1;
	s13 =	sor.u32 $0x400, s13;
	s12 =	sadd.s32 s16, s12  }
0x13: {  	[hbm4b:s12+s13] =	stream.strided.scatter [tilespmem:s14], [sflag:$0x2], $0x2000, s8, s13, $0x20;
	[tilespmem:$0x8080] =	vst v63  }
.LBB1_5:
0x14: {  	s14 =	sadd.s32 $0x1, s9  }
0x15: {  	s12 =	sadd.s32 $0x1000, s10;
	s16 =	smov.u32 s10;
	p2 =	sgt.s32 s14, $0x31  }
0x16: {  	s16 =	smov.u32 @p2 s12  }
0x17: {  	s14 =	simm.s32 @p2 $0x0;
	p2 =	sgt.s32 s16, $0x3FFF  }
0x18: {  	s16 =	smov.u32 @p2 s2;
	p2 =	sne.s32 s11, s7  }
.Ltmp1:
0x19: {  	p1 =	slt.u32 s11, $0x2;
	(pc) =	sbr.rel @!p2 .LBB1_6-.Ltmp1, $4  }
0x1a: {  	s15 =	simm.s32 @!p1 $0x2  }
0x1b: {  	s13 =	smov.u32 s10;
	p0 =	por !p0, !p0;
	_ =	swait.ge @!p1 [sflag:s15], $0x2000  }
0x1c: {  	s12 =	smov.u32 s9;
	[sflag:s15] =	ssyncset.done @!p1 $0x0;
	s9 =	smov.u32 s14  }
0x1d: {  	s11 =	sadd.s32 $0x1, s11;
	[sflag:s15] =	ssyncadd.s32 @!p1 $0xFFFFE000;
	s10 =	smov.u32 s16  }
.LBB1_1:
0x1e: {  	p1 =	sge.u32 s11, s5  }
0x1f: {  	s14 =	sand.u32 @!p1 $0x1FFFFFF, s9  }
0x20: {  	s15 =	smulhi.u32 @!p1 $0x4924925, s14;
	_ =	sdelay $0x1  }
0x21: {  	s15 =	smul.u32 @!p1 $0x38, s15  }
0x22: {  	s16 =	sxor.u32 @!p1 $0xFFFFFFFF, s11;
	s17 =	smul.u32 @!p1 $0x380, s10  }
0x23: {  	s31 =	sadd.s32 $0xFFFFFFFF, s11;
	s16 =	sshll.u32 @!p1 s16, $0xD;
	s14 =	ssub.s32 @!p1 s14, s15  }
0x24: {  	s15 =	sand.u32 @!p1 $0x2000, s16;
	s16 =	sadd.s32 @!p1 s6, s17;
	s14 =	sshll.u32 @!p1 s14, $0x4  }
0x25: {  	s17 =	simm.s32 @!p1 $0x1C00;
	s14 =	sadd.s32 @!p1 s14, s16;
	s16 =	simm.s32 @!p1 $0x40  }
0x26: {  	[tilespmem:s15], [sflag:$0x1] =	stream.strided.gather @!p1 [hbm4b:s14+s16], $0x2000, s17, s16, $0x38;
	[tilespmem:$0x8080] =	vst v63  }
0x27: {  	p1 =	sge.u32 s31, s5  }
.Ltmp2:
0x28: {  	_ = 	snop;
	(pc) =	sbr.rel @p1 .LBB1_5-.Ltmp2, $1  }
0x29: {  	_ =	sdelay $0x3  }
0x2a: {  	s14 =	simm.s32 $0x1  }
0x2b: {  	_ =	swait.ge [sflag:s4], $0x2000;
	s14 =	simm.s32 @!p0 $0x0  }
0x2c: {  	[sflag:s4] =	ssyncset.done $0x0;
	s15 =	sshll.u32 s14, $0xD  }
0x2d: {  	[sflag:s4] =	ssyncadd.s32 $0xFFFFE000;
	s18 =	sor.u32 $0x20, s15  }
0x2e: {  	s14 =	smul.u32 $0x8100, s14;
	v3 =	vld [tilespmem:s18+$0x10]  }
0x2f: {  	s30 =	sand.u32 $0x1, s11;
	v2 =	vld [tilespmem:s18+$0xFFFFFFF0]  }
0x30: {  	s15 =	smul.u32 $0x8100, s30;
	s14 =	sshrl.u32 s14, $0x2;
	v0 =	vld [tilespmem:s18+$0x0]  }
0x31: {  	v1 =	vld [tilespmem:s18+$0xFFFFFFE0];
	s16 =	sor.u32 $0x4000, s14  }
0x32: {  	s31 =	sshrl.u32 s15, $0x2;
	s15 =	sadd.s32 $0x0, s16  }
0x33: {  	s17 =	simm.s32 $0x4;
	s18 =	sadd.s32 $0x40, s18;
	s14 =	sor.u32 $0x4000, s31;
	[tilespmem:s15+$0x1830 ss:$0x81] =	vst.msk $0xffff, v3  }
.LBB1_3:
0x34: {  	v3 =	vld [tilespmem:s18+$0x10];
	p1 =	sne.s32 s17, $0x1FC;
	[tilespmem:s15+$0x810 ss:$0x81] =	vst.msk $0xffff, v2;
	s19 =	smov.u32 s17;
	s17 =	sadd.s32 $0x4, s17  }
.Ltmp3:
0x35: {  	v2 =	vld [tilespmem:s18+$0xFFFFFFF0];
	[tilespmem:s15+$0x1020 ss:$0x81] =	vst.msk $0xffff, v0;
	(pc) =	sbr.rel @p1 .LBB1_3-.Ltmp3, $4  }
0x36: {  	v0 =	vld [tilespmem:s18+$0x0];
	[tilespmem:s15+$0x0 ss:$0x81] =	vst.msk $0xffff, v1  }
0x37: {  	s15 =	sshra.s32 s19, $0x2;
	v1 =	vld [tilespmem:s18+$0xFFFFFFE0]  }
0x38: {  	s15 =	sadd.s32 s15, s16  }
0x39: {  	s18 =	sadd.s32 $0x40, s18;
	[tilespmem:s15+$0x1830 ss:$0x81] =	vst.msk $0xffff, v3  }
.Ltmp4:
0x3a: {  	_ = 	snop;
	(pc) =	sbr.rel .LBB1_4-.Ltmp4, $1  }
0x3b: {  	_ =	sdelay $0x3  }
.LBB1_6:
0x3c: {  	_ =	sfence.sel $0x180000  }
0x3d: {  	s2 =	simm.s32 $0x1;
	[bflag:$0x0] =	sbarrier.arrive $0xFFFF  }
0x3e: {  	s31 =	simm.s32 $0x2;
	[sflag:s2] =	ssyncpa.u1 $0x1  }
0x3f: {  	[sflag:s31] =	ssyncpa.u1 $0x1  }
0x40: {  	p0 =	sne.s32 s0, $0x0;
	_ =	strace $0x9000004A  }
0x41: {  	s0 =	sadd.s32 @!p0 $0x100000, s1;
	[bflag:$0x2] =	sbarrier.arrive $0xFFFF  }
0x42: {  	[sflag:s0] =	ssyncadd.tile.s32 @!p0 $0x1;
	_ =	shalt  }
.Lfunc_end1:
_tile_overlayer_lowered:
.L_overlay_start_2:
0x43: {  	(tag) =	ssettag $0x2  }
0x44: {  	s0 =	rddreg [dreg:$0x0];
	s2 =	stileid.u32  }
0x45: {  	s1 =	rddreg [dreg:$0x1];
	p0 =	sne.s32 s2, $0x0  }
0x46: {  	s3 =	rddreg [dreg:$0x2];
	[bflag:$0x3] =	sbarrier.arrive $0xFFFF;
	s2 =	simm.s32 @!p0 $0x1C01  }
0x47: {  	[timem:s3], [sflag:s2] =	dma.local @!p0 [hbm:s0], s1  }
0x48: {  	s0 =	simm.s32 @!p0 $0x1  }
0x49: {  	_ =	swait.ge @!p0 [sflag:s0], s1  }
0x4a: {  	s1 =	ssub.s32 @!p0 $0x0, s1;
	[sflag:s0] =	ssyncset.done @!p0 $0x0  }
0x4b: {  	[sflag:s0] =	ssyncadd.s32 @!p0 s1  }
0x4c: {  	[bflag:$0x3] =	sbarrier.arrive $0xFFFF  }
0x4d: {  	_ =	shalt  }

</sc_bundles>
